<compile_context>
chip_gen: v7x
topology: tpu7x:2x2x1
jax: 0.10.2.dev20260603
libtpu: 0.0.44.dev20260713+nightly
codegen_flags: <defaults>
</compile_context>

<pallas_src>
import jax
import jax.numpy as jnp
from jax import lax
from jax.experimental import pallas as pl
from jax.experimental.pallas import tpu as pltpu
from jax.experimental.pallas import tpu_sc as plsc

B = 4096
T = 200
BT = B * T
H = 64

NC = 2
NS = 16
NW = NC * NS
CHUNK = 256
PER_WS = B // NW


def _sc_mesh():
  return plsc.VectorSubcoreMesh(core_axis_name="c", subcore_axis_name="s")


def _gather_stream(idx_hbm, tab, out_hbm, col, total, chunk, wid,
                   idx_v, rows_v, gsem, ssem):
  per_w = total // NW
  nch = per_w // chunk
  base0 = wid * per_w
  idx = idx_v.at[pl.ds(0, chunk)]
  rows = rows_v.at[pl.ds(0, chunk)]

  @pl.loop(0, nch)
  def _(i):
    base = base0 + i * chunk
    pltpu.sync_copy(idx_hbm.at[pl.ds(base, chunk)], idx)
    pltpu.async_copy(tab.at[idx], rows, gsem).wait()
    pltpu.async_copy(
        rows, out_hbm.at[pl.ds(base, chunk), pl.ds(col, 2 * H)], ssem).wait()


def _sc_ks_body(ik0, ik1, is0, is1, is2, kt0, kt1, st0, st1, st2,
                kn2, gk1, s2, gs1, idx_v, rows_v, gsem, ssem):
  wid = lax.axis_index("s") * NC + lax.axis_index("c")
  _gather_stream(ik0, kt0, kn2, 0, BT, CHUNK, wid, idx_v, rows_v, gsem, ssem)
  _gather_stream(ik1, kt1, gk1, 0, BT, CHUNK, wid, idx_v, rows_v, gsem, ssem)
  _gather_stream(is0, st0, s2, 0, B, PER_WS, wid, idx_v, rows_v, gsem, ssem)
  _gather_stream(is1, st1, gs1, 0, B, PER_WS, wid, idx_v, rows_v, gsem, ssem)
  _gather_stream(is2, st2, s2, 2 * H, B, PER_WS, wid, idx_v, rows_v,
                 gsem, ssem)


def _sc_o_body(io, ot, ob2, idx_v, rows_v, gsem, ssem):
  wid = lax.axis_index("s") * NC + lax.axis_index("c")
  _gather_stream(io, ot, ob2, 0, BT, CHUNK, wid, idx_v, rows_v, gsem, ssem)


def _sc_scratch():
  return [
      pltpu.VMEM((CHUNK,), jnp.int32),
      pltpu.VMEM((CHUNK, 2 * H), jnp.float32),
      pltpu.SemaphoreType.DMA,
      pltpu.SemaphoreType.DMA,
  ]


def _pair_consts(emb, bias, lo, hi):
  e = emb[lo:hi]
  bb = bias[lo:hi]
  n = e.shape[0]
  z = jnp.zeros((n // 2, H), e.dtype)
  el = jnp.concatenate([e[0::2], z], axis=1)[:, None, :]
  er = jnp.concatenate([z, e[1::2]], axis=1)[:, None, :]
  b2 = jnp.concatenate([bb[0::2], bb[1::2]], axis=1)[:, None, :]
  return el, er, b2


def _right_half(emb, bias, j):
  z = jnp.zeros((1, H), emb.dtype)
  er = jnp.concatenate([z, emb[j:j + 1]], axis=1)
  br = jnp.concatenate([z, bias[j:j + 1]], axis=1)
  return er, br


def kernel(s_cat, s_cont, k_cat, k_cont, o_cat, o_cont, target,
           s_cat_tables, k_cat_tables, o_cat_tables,
           s_cont_emb, s_cont_bias, k_cont_emb, k_cont_bias,
           o_cont_emb, o_cont_bias, tgt_emb, tgt_bias):
  f32 = jnp.float32
  ik0 = k_cat[:, :, 0].reshape(BT)
  ik1 = k_cat[:, :, 1].reshape(BT)
  io = o_cat[:, :, 0].reshape(BT)
  is0 = s_cat[:, 0, 0]
  is1 = s_cat[:, 0, 1]
  is2 = s_cat[:, 0, 2]
  kct = k_cont.reshape(BT, 4, 2).transpose(1, 0, 2)
  oct_ = o_cont.reshape(BT, 8, 1).transpose(1, 0, 2)
  sct = s_cont.reshape(B, 4, 1).transpose(1, 0, 2)
  tg = target.reshape(BT, 1)

  padr = lambda t: jnp.pad(t, ((0, 0), (0, H)))
  padl = lambda t: jnp.pad(t, ((0, 0), (H, 0)))
  kt0, kt1 = padr(k_cat_tables[0]), padl(k_cat_tables[1])
  ot = padr(o_cat_tables[0])
  st0, st1, st2 = padr(s_cat_tables[0]), padl(s_cat_tables[1]), padr(
      s_cat_tables[2])

  sc_ks = pl.kernel(
      _sc_ks_body,
      out_type=(
          jax.ShapeDtypeStruct((BT, 10 * H), f32),
          jax.ShapeDtypeStruct((BT, 2 * H), f32),
          jax.ShapeDtypeStruct((B, 7 * H), f32),
          jax.ShapeDtypeStruct((B, 2 * H), f32),
      ),
      mesh=_sc_mesh(),
      scratch_types=_sc_scratch(),
  )
  kn2, gk1, s2, gs1 = sc_ks(ik0, ik1, is0, is1, is2, kt0, kt1, st0, st1, st2)

  sc_o = pl.kernel(
      _sc_o_body,
      out_type=jax.ShapeDtypeStruct((BT, 9 * H), f32),
      mesh=_sc_mesh(),
      scratch_types=_sc_scratch(),
  )
  ob2 = sc_o(io, ot)

  CB = 2048

  kel, ker, kb2 = _pair_consts(k_cont_emb, k_cont_bias, 0, 8)

  def kn_body(in0_ref, g1_ref, x_ref, el_ref, er_ref, b2_ref, out_ref):
    out_ref[:, 0:2 * H] = in0_ref[...] + g1_ref[...]
    for p in range(4):
      x = x_ref[p]
      out_ref[:, (2 + 2 * p) * H:(4 + 2 * p) * H] = (
          x[:, 0:1] * el_ref[p] + x[:, 1:2] * er_ref[p] + b2_ref[p])

  kn2 = pl.pallas_call(
      kn_body,
      grid=(BT // CB,),
      in_specs=[
          pl.BlockSpec((CB, 2 * H), lambda i: (i, 0)),
          pl.BlockSpec((CB, 2 * H), lambda i: (i, 0)),
          pl.BlockSpec((4, CB, 2), lambda i: (0, i, 0)),
          pl.BlockSpec((4, 1, 2 * H), lambda i: (0, 0, 0)),
          pl.BlockSpec((4, 1, 2 * H), lambda i: (0, 0, 0)),
          pl.BlockSpec((4, 1, 2 * H), lambda i: (0, 0, 0)),
      ],
      out_specs=pl.BlockSpec((CB, 10 * H), lambda i: (i, 0)),
      out_shape=jax.ShapeDtypeStruct((BT, 10 * H), f32),
      input_output_aliases={0: 0},
  )(kn2, gk1, kct, kel, ker, kb2)

  oel, oer, ob23 = _pair_consts(o_cont_emb, o_cont_bias, 1, 7)
  oer0, obr0 = _right_half(o_cont_emb, o_cont_bias, 0)
  oe7 = o_cont_emb[7:8]
  ob7 = o_cont_bias[7:8]

  def obs_body(in0_ref, x_ref, el_ref, er_ref, b2_ref, er0_ref, br0_ref,
               e7_ref, b7_ref, out_ref):
    out_ref[:, 0:2 * H] = (in0_ref[...] + x_ref[0] * er0_ref[...]
                           + br0_ref[...])
    for p in range(3):
      xl = x_ref[1 + 2 * p]
      xr = x_ref[2 + 2 * p]
      out_ref[:, (2 + 2 * p) * H:(4 + 2 * p) * H] = (
          xl * el_ref[p] + xr * er_ref[p] + b2_ref[p])
    out_ref[:, 8 * H:9 * H] = x_ref[7] * e7_ref[...] + b7_ref[...]

  ob2 = pl.pallas_call(
      obs_body,
      grid=(BT // CB,),
      in_specs=[
          pl.BlockSpec((CB, 2 * H), lambda i: (i, 0)),
          pl.BlockSpec((8, CB, 1), lambda i: (0, i, 0)),
          pl.BlockSpec((3, 1, 2 * H), lambda i: (0, 0, 0)),
          pl.BlockSpec((3, 1, 2 * H), lambda i: (0, 0, 0)),
          pl.BlockSpec((3, 1, 2 * H), lambda i: (0, 0, 0)),
          pl.BlockSpec((1, 2 * H), lambda i: (0, 0)),
          pl.BlockSpec((1, 2 * H), lambda i: (0, 0)),
          pl.BlockSpec((1, H), lambda i: (0, 0)),
          pl.BlockSpec((1, H), lambda i: (0, 0)),
      ],
      out_specs=pl.BlockSpec((CB, 9 * H), lambda i: (i, 0)),
      out_shape=jax.ShapeDtypeStruct((BT, 9 * H), f32),
      input_output_aliases={0: 0},
  )(ob2, oct_, oel, oer, ob23, oer0, obr0, oe7, ob7)

  sel12, ser12, sb12 = _pair_consts(s_cont_emb, s_cont_bias, 1, 3)
  ser0, sbr0 = _right_half(s_cont_emb, s_cont_bias, 0)
  se3 = s_cont_emb[3:4]
  sb3 = s_cont_bias[3:4]

  def s_body(in_ref, g1_ref, x_ref, el_ref, er_ref, b2_ref, er0_ref, br0_ref,
             e3_ref, b3_ref, out_ref):
    out_ref[:, 0:2 * H] = in_ref[:, 0:2 * H] + g1_ref[...]
    out_ref[:, 2 * H:4 * H] = (in_ref[:, 2 * H:4 * H]
                               + x_ref[0] * er0_ref[...] + br0_ref[...])
    out_ref[:, 4 * H:6 * H] = (x_ref[1] * el_ref[0] + x_ref[2] * er_ref[0]
                               + b2_ref[0])
    out_ref[:, 6 * H:7 * H] = x_ref[3] * e3_ref[...] + b3_ref[...]

  SB = 1024
  s2 = pl.pallas_call(
      s_body,
      grid=(B // SB,),
      in_specs=[
          pl.BlockSpec((SB, 4 * H), lambda i: (i, 0)),
          pl.BlockSpec((SB, 2 * H), lambda i: (i, 0)),
          pl.BlockSpec((4, SB, 1), lambda i: (0, i, 0)),
          pl.BlockSpec((1, 1, 2 * H), lambda i: (0, 0, 0)),
          pl.BlockSpec((1, 1, 2 * H), lambda i: (0, 0, 0)),
          pl.BlockSpec((1, 1, 2 * H), lambda i: (0, 0, 0)),
          pl.BlockSpec((1, 2 * H), lambda i: (0, 0)),
          pl.BlockSpec((1, 2 * H), lambda i: (0, 0)),
          pl.BlockSpec((1, H), lambda i: (0, 0)),
          pl.BlockSpec((1, H), lambda i: (0, 0)),
      ],
      out_specs=pl.BlockSpec((SB, 7 * H), lambda i: (i, 0)),
      out_shape=jax.ShapeDtypeStruct((B, 7 * H), f32),
      input_output_aliases={0: 0},
  )(s2, gs1, sct, sel12, ser12, sb12, ser0, sbr0, se3, sb3)

  def tgt_body(t_ref, e_ref, b_ref, out_ref):
    out_ref[...] = t_ref[...] * e_ref[...] + b_ref[...]

  tg2 = pl.pallas_call(
      tgt_body,
      grid=(BT // CB,),
      in_specs=[
          pl.BlockSpec((CB, 1), lambda i: (i, 0)),
          pl.BlockSpec((1, H), lambda i: (0, 0)),
          pl.BlockSpec((1, H), lambda i: (0, 0)),
      ],
      out_specs=pl.BlockSpec((CB, H), lambda i: (i, 0)),
      out_shape=jax.ShapeDtypeStruct((BT, H), f32),
  )(tg, tgt_emb, tgt_bias)

  return (s2.reshape(B, 7, H),
          kn2.reshape(B, T, 10, H),
          ob2.reshape(B, T, 9, H),
          tg2.reshape(B, T, 1, H))

# --- scband reference (transcript-rebuilt; emitter-appended) ---
"""Pipeline reference for scband-tftembedding-6828998001100 (READ-ONLY COPY).

The authoritative reference and input builder live on the scoring server;
editing this copy changes nothing except your own understanding.
"""

import jax, jax.numpy as jnp
import numpy as np

B = 4096
T = 200
H = 64
S_CAT_LENS = [100000, 100000, 1000]
K_CAT_LENS = [1000, 100000]
O_CAT_LENS = [100000]
S_CONT = 4
K_CONT = 8
O_CONT = 8
TGT = 1


def setup_inputs(seed: int = 0) -> dict:
    key = jax.random.key(seed)
    ks = jax.random.split(key, 24)
    inp = {}
    inp['s_cat'] = jax.random.randint(ks[0], (B, 1, len(S_CAT_LENS)), 0, 1000, dtype=jnp.int32)
    inp['s_cont'] = jax.random.normal(ks[1], (B, 1, S_CONT), dtype=jnp.float32)
    inp['k_cat'] = jax.random.randint(ks[2], (B, T, len(K_CAT_LENS)), 0, 1000, dtype=jnp.int32)
    inp['k_cont'] = jax.random.normal(ks[3], (B, T, K_CONT), dtype=jnp.float32)
    inp['o_cat'] = jax.random.randint(ks[4], (B, T, len(O_CAT_LENS)), 0, 100000, dtype=jnp.int32)
    inp['o_cont'] = jax.random.normal(ks[5], (B, T, O_CONT), dtype=jnp.float32)
    inp['target'] = jax.random.normal(ks[6], (B, T, TGT), dtype=jnp.float32)
    inp['s_cat_tables'] = [jax.random.normal(jax.random.fold_in(ks[7], i), (n, H), dtype=jnp.float32) * 0.02 for i, n in enumerate(S_CAT_LENS)]
    inp['k_cat_tables'] = [jax.random.normal(jax.random.fold_in(ks[8], i), (n, H), dtype=jnp.float32) * 0.02 for i, n in enumerate(K_CAT_LENS)]
    inp['o_cat_tables'] = [jax.random.normal(jax.random.fold_in(ks[9], i), (n, H), dtype=jnp.float32) * 0.02 for i, n in enumerate(O_CAT_LENS)]
    inp['s_cont_emb'] = jax.random.normal(ks[10], (S_CONT, H), dtype=jnp.float32) * (2.0 / (S_CONT + H)) ** 0.5
    inp['s_cont_bias'] = jnp.zeros((S_CONT, H), dtype=jnp.float32)
    inp['k_cont_emb'] = jax.random.normal(ks[11], (K_CONT, H), dtype=jnp.float32) * (2.0 / (K_CONT + H)) ** 0.5
    inp['k_cont_bias'] = jnp.zeros((K_CONT, H), dtype=jnp.float32)
    inp['o_cont_emb'] = jax.random.normal(ks[12], (O_CONT, H), dtype=jnp.float32) * (2.0 / (O_CONT + H)) ** 0.5
    inp['o_cont_bias'] = jnp.zeros((O_CONT, H), dtype=jnp.float32)
    inp['tgt_emb'] = jax.random.normal(ks[13], (TGT, H), dtype=jnp.float32) * (2.0 / (TGT + H)) ** 0.5
    inp['tgt_bias'] = jnp.zeros((TGT, H), dtype=jnp.float32)
    return inp


def _apply_embedding(cat, cont, tables, cont_emb, cont_bias):
    e_cat = None
    if cat is not None:
        e_cat = jnp.stack([jnp.take(tables[i], cat[..., i], axis=0) for i in range(len(tables))], axis=-2)
    e_cont = None
    if cont is not None:
        e_cont = cont[..., None] * cont_emb + cont_bias
    if e_cat is not None and e_cont is not None:
        return jnp.concatenate([e_cat, e_cont], axis=-2)
    elif e_cat is not None:
        return e_cat
    else:
        return e_cont


def reference(s_cat, s_cont, k_cat, k_cont, o_cat, o_cont, target,
              s_cat_tables, k_cat_tables, o_cat_tables,
              s_cont_emb, s_cont_bias, k_cont_emb, k_cont_bias,
              o_cont_emb, o_cont_bias, tgt_emb, tgt_bias):
    s_cat_sl = s_cat[:, 0, :]
    s_cont_sl = s_cont[:, 0, :]
    s_inp = _apply_embedding(s_cat_sl, s_cont_sl, s_cat_tables, s_cont_emb, s_cont_bias)
    t_known_inp = _apply_embedding(k_cat, k_cont, k_cat_tables, k_cont_emb, k_cont_bias)
    t_observed_inp = _apply_embedding(o_cat, o_cont, o_cat_tables, o_cont_emb, o_cont_bias)
    # fused_pointwise_linear_v2: x.unsqueeze(3) * a + b
    t_observed_tgt = target[..., None] * tgt_emb + tgt_bias
    return (s_inp, t_known_inp, t_observed_inp, t_observed_tgt)

if __name__ == "__main__":
    import jax
    _d = setup_inputs()
    print(jax.jit(kernel)(*tuple(_d.values())))

</pallas_src>

<mosaic_0001>
#map = affine_map<(d0, d1) -> (0)>
#map1 = affine_map<(d0, d1) -> (0, 0)>
module attributes {stable_mosaic.version = 14 : i64} {
  func.func @_sc_o_body(%arg0: i32, %arg1: i32, %arg2: memref<819200xi32, #tpu.memory_space<hbm>>, %arg3: memref<100000x128xf32, #tpu.memory_space<hbm>>, %arg4: memref<819200x576xf32, #tpu.memory_space<hbm>>, %arg5: memref<256xi32, #tpu.memory_space<vmem>>, %arg6: memref<256x128xf32, #tpu.memory_space<vmem>>, %arg7: memref<!tpu.dma_semaphore, #tpu.memory_space<semaphore_mem>>, %arg8: memref<!tpu.dma_semaphore, #tpu.memory_space<semaphore_mem>>) attributes {dimension_semantics = [#tpu.dimension_semantics<core_parallel>, #tpu.dimension_semantics<subcore_parallel>], iteration_bounds = array<i64: 2, 16>, scalar_prefetch = 0 : i64, scratch_operands = 4 : i64, tpu.core_type = #tpu.core_type<sc_vector_subcore>, window_params = [{transform_indices = #map}, {transform_indices = #map1}, {transform_indices = #map1}]} {
    %mul3A = arith.constant 2 : i32
    %mul3A_0 = arith.muli %arg1, %mul3A : i32
    %add3A = arith.addi %mul3A_0, %arg0 : i32
    %mul3A_1 = arith.constant 25600 : i32
    %mul3A_2 = arith.muli %add3A, %mul3A_1 : i32
    %scan3A = arith.constant 0 : i32
    %scan3A_3 = arith.constant 100 : i32
    %scan3A_4 = arith.addi %scan3A, %scan3A_3 : i32
    %scan3A_5 = arith.constant 1 : i32
    scf.for %scan3A_7 = %scan3A to %scan3A_4 step %scan3A_5  : i32 {
      %mul3A_8 = arith.constant 1 : i32
      %mul3A_9 = arith.muli %scan3A_7, %mul3A_8 : i32
      %add3A_10 = arith.constant 0 : i32
      %add3A_11 = arith.addi %add3A_10, %mul3A_9 : i32
      %mul3A_12 = arith.constant 256 : i32
      %mul3A_13 = arith.muli %add3A_11, %mul3A_12 : i32
      %add3A_14 = arith.addi %mul3A_2, %mul3A_13 : i32
      "tpu.region"() ({
        %run_scoped3A = tpu.sem_alloc : memref<!tpu.dma_semaphore, #tpu.memory_space<semaphore_mem>>
        %dma_start3A_49 = arith.constant 0 : i32
        %dma_start3A_50 = tpu.memref_slice %arg5[%dma_start3A_49] : memref<256xi32, #tpu.memory_space<vmem>> -> memref<256xi32, #tpu.memory_space<vmem>>
        %dma_start3A_51 = tpu.memref_slice %arg2[%add3A_14] : memref<819200xi32, #tpu.memory_space<hbm>> -> memref<256xi32, #tpu.memory_space<hbm>>
        %dma_start3A_52 = arith.constant 0 : i32
        %dma_start3A_53 = tpu.memref_slice %arg5[%dma_start3A_52] : memref<256xi32, #tpu.memory_space<vmem>> -> memref<256xi32, #tpu.memory_space<vmem>>
        %dma_start3A_54 = tpu.memref_slice %arg2[%add3A_14] : memref<819200xi32, #tpu.memory_space<hbm>> -> memref<256xi32, #tpu.memory_space<hbm>>
        tpu.enqueue_dma source(%dma_start3A_54 : memref<256xi32, #tpu.memory_space<hbm>>) target(%dma_start3A_53 : memref<256xi32, #tpu.memory_space<vmem>>) target_semaphore(%run_scoped3A : memref<!tpu.dma_semaphore, #tpu.memory_space<semaphore_mem>>)
        %dma_wait3A_55 = arith.constant 0 : i32
        %dma_wait3A_56 = tpu.memref_slice %arg5[%dma_wait3A_55] : memref<256xi32, #tpu.memory_space<vmem>> -> memref<256xi32, #tpu.memory_space<vmem>>
        %dma_wait3A_57 = tpu.memref_slice %arg2[%add3A_14] : memref<819200xi32, #tpu.memory_space<hbm>> -> memref<256xi32, #tpu.memory_space<hbm>>
        %dma_wait3A_58 = arith.constant 0 : i32
        %dma_wait3A_59 = tpu.memref_slice %arg5[%dma_wait3A_58] : memref<256xi32, #tpu.memory_space<vmem>> -> memref<256xi32, #tpu.memory_space<vmem>>
        %dma_wait3A_60 = tpu.memref_slice %arg2[%add3A_14] : memref<819200xi32, #tpu.memory_space<hbm>> -> memref<256xi32, #tpu.memory_space<hbm>>
        tpu.wait_dma2 semaphore(%run_scoped3A : memref<!tpu.dma_semaphore, #tpu.memory_space<semaphore_mem>>) src(%dma_wait3A_60 : memref<256xi32, #tpu.memory_space<hbm>>) dst(%dma_wait3A_59 : memref<256xi32, #tpu.memory_space<vmem>>)
        tpu.yield
      }) : () -> ()
      %dma_start3A = arith.constant 0 : i32
      %dma_start3A_15 = arith.constant 0 : i32
      %dma_start3A_16 = tpu.memref_slice %arg6[%dma_start3A, %dma_start3A_15] : memref<256x128xf32, #tpu.memory_space<vmem>> -> memref<256x128xf32, #tpu.memory_space<vmem>>
      %dma_start3A_17 = arith.constant 0 : i32
      %dma_start3A_18 = tpu.memref_slice %arg5[%dma_start3A_17] : memref<256xi32, #tpu.memory_space<vmem>> -> memref<256xi32, #tpu.memory_space<vmem>>
      %dma_start3A_19 = arith.constant 0 : i32
      %dma_start3A_20 = arith.constant 0 : i32
      %dma_start3A_21 = tpu.memref_slice %arg3[%dma_start3A_19, %dma_start3A_20] : memref<100000x128xf32, #tpu.memory_space<hbm>> -> memref<100000x128xf32, #tpu.memory_space<hbm>>
      tpu.enqueue_indirect_dma source(%dma_start3A_21 : memref<100000x128xf32, #tpu.memory_space<hbm>>) target(%dma_start3A_16 : memref<256x128xf32, #tpu.memory_space<vmem>>) offsets(%dma_start3A_18 : memref<256xi32, #tpu.memory_space<vmem>>) semaphore(%arg7 : memref<!tpu.dma_semaphore, #tpu.memory_space<semaphore_mem>>)
      %dma_wait3A = arith.constant 0 : i32
      %dma_wait3A_22 = arith.constant 0 : i32
      %dma_wait3A_23 = tpu.memref_slice %arg6[%dma_wait3A, %dma_wait3A_22] : memref<256x128xf32, #tpu.memory_space<vmem>> -> memref<256x128xf32, #tpu.memory_space<vmem>>
      %dma_wait3A_24 = arith.constant 0 : i32
      %dma_wait3A_25 = tpu.memref_slice %arg5[%dma_wait3A_24] : memref<256xi32, #tpu.memory_space<vmem>> -> memref<256xi32, #tpu.memory_space<vmem>>
      %dma_wait3A_26 = arith.constant 0 : i32
      %dma_wait3A_27 = arith.constant 0 : i32
      %dma_wait3A_28 = tpu.memref_slice %arg3[%dma_wait3A_26, %dma_wait3A_27] : memref<100000x128xf32, #tpu.memory_space<hbm>> -> memref<100000x128xf32, #tpu.memory_space<hbm>>
      tpu.wait_indirect_dma semaphore(%arg7 : memref<!tpu.dma_semaphore, #tpu.memory_space<semaphore_mem>>) src(%dma_wait3A_28 : memref<100000x128xf32, #tpu.memory_space<hbm>>) dst(%dma_wait3A_23 : memref<256x128xf32, #tpu.memory_space<vmem>>)
      %dma_start3A_29 = arith.constant 0 : i32
      %dma_start3A_30 = arith.constant 0 : i32
      %dma_start3A_31 = tpu.memref_slice %arg6[%dma_start3A_29, %dma_start3A_30] : memref<256x128xf32, #tpu.memory_space<vmem>> -> memref<256x128xf32, #tpu.memory_space<vmem>>
      %dma_start3A_32 = arith.constant 0 : i32
      %dma_start3A_33 = tpu.memref_slice %arg4[%add3A_14, %dma_start3A_32] : memref<819200x576xf32, #tpu.memory_space<hbm>> -> memref<256x128xf32, #tpu.memory_space<hbm>>
      %dma_start3A_34 = arith.constant 0 : i32
      %dma_start3A_35 = tpu.memref_slice %arg4[%add3A_14, %dma_start3A_34] : memref<819200x576xf32, #tpu.memory_space<hbm>> -> memref<256x128xf32, #tpu.memory_space<hbm>>
      %dma_start3A_36 = arith.constant 0 : i32
      %dma_start3A_37 = arith.constant 0 : i32
      %dma_start3A_38 = tpu.memref_slice %arg6[%dma_start3A_36, %dma_start3A_37] : memref<256x128xf32, #tpu.memory_space<vmem>> -> memref<256x128xf32, #tpu.memory_space<vmem>>
      tpu.enqueue_dma source(%dma_start3A_38 : memref<256x128xf32, #tpu.memory_space<vmem>>) target(%dma_start3A_35 : memref<256x128xf32, #tpu.memory_space<hbm>>) target_semaphore(%arg8 : memref<!tpu.dma_semaphore, #tpu.memory_space<semaphore_mem>>)
      %dma_wait3A_39 = arith.constant 0 : i32
      %dma_wait3A_40 = arith.constant 0 : i32
      %dma_wait3A_41 = tpu.memref_slice %arg6[%dma_wait3A_39, %dma_wait3A_40] : memref<256x128xf32, #tpu.memory_space<vmem>> -> memref<256x128xf32, #tpu.memory_space<vmem>>
      %dma_wait3A_42 = arith.constant 0 : i32
      %dma_wait3A_43 = tpu.memref_slice %arg4[%add3A_14, %dma_wait3A_42] : memref<819200x576xf32, #tpu.memory_space<hbm>> -> memref<256x128xf32, #tpu.memory_space<hbm>>
      %dma_wait3A_44 = arith.constant 0 : i32
      %dma_wait3A_45 = tpu.memref_slice %arg4[%add3A_14, %dma_wait3A_44] : memref<819200x576xf32, #tpu.memory_space<hbm>> -> memref<256x128xf32, #tpu.memory_space<hbm>>
      %dma_wait3A_46 = arith.constant 0 : i32
      %dma_wait3A_47 = arith.constant 0 : i32
      %dma_wait3A_48 = tpu.memref_slice %arg6[%dma_wait3A_46, %dma_wait3A_47] : memref<256x128xf32, #tpu.memory_space<vmem>> -> memref<256x128xf32, #tpu.memory_space<vmem>>
      tpu.wait_dma2 semaphore(%arg8 : memref<!tpu.dma_semaphore, #tpu.memory_space<semaphore_mem>>) src(%dma_wait3A_48 : memref<256x128xf32, #tpu.memory_space<vmem>>) dst(%dma_wait3A_45 : memref<256x128xf32, #tpu.memory_space<hbm>>)
    }
    %scan3A_6 = arith.constant 100 : i32
    return
  }
}

#map = affine_map<(d0, d1) -> (0)>
#map1 = affine_map<(d0, d1) -> (0, 0)>
module attributes {stable_mosaic.version = 14 : i64} {
  func.func @_sc_ks_body(%arg0: i32, %arg1: i32, %arg2: memref<819200xi32, #tpu.memory_space<hbm>>, %arg3: memref<819200xi32, #tpu.memory_space<hbm>>, %arg4: memref<4096xi32, #tpu.memory_space<hbm>>, %arg5: memref<4096xi32, #tpu.memory_space<hbm>>, %arg6: memref<4096xi32, #tpu.memory_space<hbm>>, %arg7: memref<1000x128xf32, #tpu.memory_space<hbm>>, %arg8: memref<100000x128xf32, #tpu.memory_space<hbm>>, %arg9: memref<100000x128xf32, #tpu.memory_space<hbm>>, %arg10: memref<100000x128xf32, #tpu.memory_space<hbm>>, %arg11: memref<1000x128xf32, #tpu.memory_space<hbm>>, %arg12: memref<819200x640xf32, #tpu.memory_space<hbm>>, %arg13: memref<819200x128xf32, #tpu.memory_space<hbm>>, %arg14: memref<4096x448xf32, #tpu.memory_space<hbm>>, %arg15: memref<4096x128xf32, #tpu.memory_space<hbm>>, %arg16: memref<256xi32, #tpu.memory_space<vmem>>, %arg17: memref<256x128xf32, #tpu.memory_space<vmem>>, %arg18: memref<!tpu.dma_semaphore, #tpu.memory_space<semaphore_mem>>, %arg19: memref<!tpu.dma_semaphore, #tpu.memory_space<semaphore_mem>>) attributes {dimension_semantics = [#tpu.dimension_semantics<core_parallel>, #tpu.dimension_semantics<subcore_parallel>], iteration_bounds = array<i64: 2, 16>, scalar_prefetch = 0 : i64, scratch_operands = 4 : i64, tpu.core_type = #tpu.core_type<sc_vector_subcore>, window_params = [{transform_indices = #map}, {transform_indices = #map}, {transform_indices = #map}, {transform_indices = #map}, {transform_indices = #map}, {transform_indices = #map1}, {transform_indices = #map1}, {transform_indices = #map1}, {transform_indices = #map1}, {transform_indices = #map1}, {transform_indices = #map1}, {transform_indices = #map1}, {transform_indices = #map1}, {transform_indices = #map1}]} {
    %mul3A = arith.constant 2 : i32
    %mul3A_0 = arith.muli %arg1, %mul3A : i32
    %add3A = arith.addi %mul3A_0, %arg0 : i32
    %mul3A_1 = arith.constant 25600 : i32
    %mul3A_2 = arith.muli %add3A, %mul3A_1 : i32
    %scan3A = arith.constant 0 : i32
    %scan3A_3 = arith.constant 100 : i32
    %scan3A_4 = arith.addi %scan3A, %scan3A_3 : i32
    %scan3A_5 = arith.constant 1 : i32
    scf.for %scan3A_153 = %scan3A to %scan3A_4 step %scan3A_5  : i32 {
      %mul3A_154 = arith.constant 1 : i32
      %mul3A_155 = arith.muli %scan3A_153, %mul3A_154 : i32
      %add3A_156 = arith.constant 0 : i32
      %add3A_157 = arith.addi %add3A_156, %mul3A_155 : i32
      %mul3A_158 = arith.constant 256 : i32
      %mul3A_159 = arith.muli %add3A_157, %mul3A_158 : i32
      %add3A_160 = arith.addi %mul3A_2, %mul3A_159 : i32
      "tpu.region"() ({
        %run_scoped3A = tpu.sem_alloc : memref<!tpu.dma_semaphore, #tpu.memory_space<semaphore_mem>>
        %dma_start3A_197 = arith.constant 0 : i32
        %dma_start3A_198 = tpu.memref_slice %arg16[%dma_start3A_197] : memref<256xi32, #tpu.memory_space<vmem>> -> memref<256xi32, #tpu.memory_space<vmem>>
        %dma_start3A_199 = tpu.memref_slice %arg2[%add3A_160] : memref<819200xi32, #tpu.memory_space<hbm>> -> memref<256xi32, #tpu.memory_space<hbm>>
        %dma_start3A_200 = arith.constant 0 : i32
        %dma_start3A_201 = tpu.memref_slice %arg16[%dma_start3A_200] : memref<256xi32, #tpu.memory_space<vmem>> -> memref<256xi32, #tpu.memory_space<vmem>>
        %dma_start3A_202 = tpu.memref_slice %arg2[%add3A_160] : memref<819200xi32, #tpu.memory_space<hbm>> -> memref<256xi32, #tpu.memory_space<hbm>>
        tpu.enqueue_dma source(%dma_start3A_202 : memref<256xi32, #tpu.memory_space<hbm>>) target(%dma_start3A_201 : memref<256xi32, #tpu.memory_space<vmem>>) target_semaphore(%run_scoped3A : memref<!tpu.dma_semaphore, #tpu.memory_space<semaphore_mem>>)
        %dma_wait3A_203 = arith.constant 0 : i32
        %dma_wait3A_204 = tpu.memref_slice %arg16[%dma_wait3A_203] : memref<256xi32, #tpu.memory_space<vmem>> -> memref<256xi32, #tpu.memory_space<vmem>>
        %dma_wait3A_205 = tpu.memref_slice %arg2[%add3A_160] : memref<819200xi32, #tpu.memory_space<hbm>> -> memref<256xi32, #tpu.memory_space<hbm>>
        %dma_wait3A_206 = arith.constant 0 : i32
        %dma_wait3A_207 = tpu.memref_slice %arg16[%dma_wait3A_206] : memref<256xi32, #tpu.memory_space<vmem>> -> memref<256xi32, #tpu.memory_space<vmem>>
        %dma_wait3A_208 = tpu.memref_slice %arg2[%add3A_160] : memref<819200xi32, #tpu.memory_space<hbm>> -> memref<256xi32, #tpu.memory_space<hbm>>
        tpu.wait_dma2 semaphore(%run_scoped3A : memref<!tpu.dma_semaphore, #tpu.memory_space<semaphore_mem>>) src(%dma_wait3A_208 : memref<256xi32, #tpu.memory_space<hbm>>) dst(%dma_wait3A_207 : memref<256xi32, #tpu.memory_space<vmem>>)
        tpu.yield
      }) : () -> ()
      %dma_start3A_161 = arith.constant 0 : i32
      %dma_start3A_162 = arith.constant 0 : i32
      %dma_start3A_163 = tpu.memref_slice %arg17[%dma_start3A_161, %dma_start3A_162] : memref<256x128xf32, #tpu.memory_space<vmem>> -> memref<256x128xf32, #tpu.memory_space<vmem>>
      %dma_start3A_164 = arith.constant 0 : i32
      %dma_start3A_165 = tpu.memref_slice %arg16[%dma_start3A_164] : memref<256xi32, #tpu.memory_space<vmem>> -> memref<256xi32, #tpu.memory_space<vmem>>
      %dma_start3A_166 = arith.constant 0 : i32
      %dma_start3A_167 = arith.constant 0 : i32
      %dma_start3A_168 = tpu.memref_slice %arg7[%dma_start3A_166, %dma_start3A_167] : memref<1000x128xf32, #tpu.memory_space<hbm>> -> memref<1000x128xf32, #tpu.memory_space<hbm>>
      tpu.enqueue_indirect_dma source(%dma_start3A_168 : memref<1000x128xf32, #tpu.memory_space<hbm>>) target(%dma_start3A_163 : memref<256x128xf32, #tpu.memory_space<vmem>>) offsets(%dma_start3A_165 : memref<256xi32, #tpu.memory_space<vmem>>) semaphore(%arg18 : memref<!tpu.dma_semaphore, #tpu.memory_space<semaphore_mem>>)
      %dma_wait3A_169 = arith.constant 0 : i32
      %dma_wait3A_170 = arith.constant 0 : i32
      %dma_wait3A_171 = tpu.memref_slice %arg17[%dma_wait3A_169, %dma_wait3A_170] : memref<256x128xf32, #tpu.memory_space<vmem>> -> memref<256x128xf32, #tpu.memory_space<vmem>>
      %dma_wait3A_172 = arith.constant 0 : i32
      %dma_wait3A_173 = tpu.memref_slice %arg16[%dma_wait3A_172] : memref<256xi32, #tpu.memory_space<vmem>> -> memref<256xi32, #tpu.memory_space<vmem>>
      %dma_wait3A_174 = arith.constant 0 : i32
      %dma_wait3A_175 = arith.constant 0 : i32
      %dma_wait3A_176 = tpu.memref_slice %arg7[%dma_wait3A_174, %dma_wait3A_175] : memref<1000x128xf32, #tpu.memory_space<hbm>> -> memref<1000x128xf32, #tpu.memory_space<hbm>>
      tpu.wait_indirect_dma semaphore(%arg18 : memref<!tpu.dma_semaphore, #tpu.memory_space<semaphore_mem>>) src(%dma_wait3A_176 : memref<1000x128xf32, #tpu.memory_space<hbm>>) dst(%dma_wait3A_171 : memref<256x128xf32, #tpu.memory_space<vmem>>)
      %dma_start3A_177 = arith.constant 0 : i32
      %dma_start3A_178 = arith.constant 0 : i32
      %dma_start3A_179 = tpu.memref_slice %arg17[%dma_start3A_177, %dma_start3A_178] : memref<256x128xf32, #tpu.memory_space<vmem>> -> memref<256x128xf32, #tpu.memory_space<vmem>>
      %dma_start3A_180 = arith.constant 0 : i32
      %dma_start3A_181 = tpu.memref_slice %arg12[%add3A_160, %dma_start3A_180] : memref<819200x640xf32, #tpu.memory_space<hbm>> -> memref<256x128xf32, #tpu.memory_space<hbm>>
      %dma_start3A_182 = arith.constant 0 : i32
      %dma_start3A_183 = tpu.memref_slice %arg12[%add3A_160, %dma_start3A_182] : memref<819200x640xf32, #tpu.memory_space<hbm>> -> memref<256x128xf32, #tpu.memory_space<hbm>>
      %dma_start3A_184 = arith.constant 0 : i32
      %dma_start3A_185 = arith.constant 0 : i32
      %dma_start3A_186 = tpu.memref_slice %arg17[%dma_start3A_184, %dma_start3A_185] : memref<256x128xf32, #tpu.memory_space<vmem>> -> memref<256x128xf32, #tpu.memory_space<vmem>>
      tpu.enqueue_dma source(%dma_start3A_186 : memref<256x128xf32, #tpu.memory_space<vmem>>) target(%dma_start3A_183 : memref<256x128xf32, #tpu.memory_space<hbm>>) target_semaphore(%arg19 : memref<!tpu.dma_semaphore, #tpu.memory_space<semaphore_mem>>)
      %dma_wait3A_187 = arith.constant 0 : i32
      %dma_wait3A_188 = arith.constant 0 : i32
      %dma_wait3A_189 = tpu.memref_slice %arg17[%dma_wait3A_187, %dma_wait3A_188] : memref<256x128xf32, #tpu.memory_space<vmem>> -> memref<256x128xf32, #tpu.memory_space<vmem>>
      %dma_wait3A_190 = arith.constant 0 : i32
      %dma_wait3A_191 = tpu.memref_slice %arg12[%add3A_160, %dma_wait3A_190] : memref<819200x640xf32, #tpu.memory_space<hbm>> -> memref<256x128xf32, #tpu.memory_space<hbm>>
      %dma_wait3A_192 = arith.constant 0 : i32
      %dma_wait3A_193 = tpu.memref_slice %arg12[%add3A_160, %dma_wait3A_192] : memref<819200x640xf32, #tpu.memory_space<hbm>> -> memref<256x128xf32, #tpu.memory_space<hbm>>
      %dma_wait3A_194 = arith.constant 0 : i32
      %dma_wait3A_195 = arith.constant 0 : i32
      %dma_wait3A_196 = tpu.memref_slice %arg17[%dma_wait3A_194, %dma_wait3A_195] : memref<256x128xf32, #tpu.memory_space<vmem>> -> memref<256x128xf32, #tpu.memory_space<vmem>>
      tpu.wait_dma2 semaphore(%arg19 : memref<!tpu.dma_semaphore, #tpu.memory_space<semaphore_mem>>) src(%dma_wait3A_196 : memref<256x128xf32, #tpu.memory_space<vmem>>) dst(%dma_wait3A_193 : memref<256x128xf32, #tpu.memory_space<hbm>>)
    }
    %scan3A_6 = arith.constant 100 : i32
    %mul3A_7 = arith.constant 25600 : i32
    %mul3A_8 = arith.muli %add3A, %mul3A_7 : i32
    %scan3A_9 = arith.constant 0 : i32
    %scan3A_10 = arith.constant 100 : i32
    %scan3A_11 = arith.addi %scan3A_9, %scan3A_10 : i32
    %scan3A_12 = arith.constant 1 : i32
    scf.for %scan3A_153 = %scan3A_9 to %scan3A_11 step %scan3A_12  : i32 {
      %mul3A_154 = arith.constant 1 : i32
      %mul3A_155 = arith.muli %scan3A_153, %mul3A_154 : i32
      %add3A_156 = arith.constant 0 : i32
      %add3A_157 = arith.addi %add3A_156, %mul3A_155 : i32
      %mul3A_158 = arith.constant 256 : i32
      %mul3A_159 = arith.muli %add3A_157, %mul3A_158 : i32
      %add3A_160 = arith.addi %mul3A_8, %mul3A_159 : i32
      "tpu.region"() ({
        %run_scoped3A = tpu.sem_alloc : memref<!tpu.dma_semaphore, #tpu.memory_space<semaphore_mem>>
        %dma_start3A_197 = arith.constant 0 : i32
        %dma_start3A_198 = tpu.memref_slice %arg16[%dma_start3A_197] : memref<256xi32, #tpu.memory_space<vmem>> -> memref<256xi32, #tpu.memory_space<vmem>>
        %dma_start3A_199 = tpu.memref_slice %arg3[%add3A_160] : memref<819200xi32, #tpu.memory_space<hbm>> -> memref<256xi32, #tpu.memory_space<hbm>>
        %dma_start3A_200 = arith.constant 0 : i32
        %dma_start3A_201 = tpu.memref_slice %arg16[%dma_start3A_200] : memref<256xi32, #tpu.memory_space<vmem>> -> memref<256xi32, #tpu.memory_space<vmem>>
        %dma_start3A_202 = tpu.memref_slice %arg3[%add3A_160] : memref<819200xi32, #tpu.memory_space<hbm>> -> memref<256xi32, #tpu.memory_space<hbm>>
        tpu.enqueue_dma source(%dma_start3A_202 : memref<256xi32, #tpu.memory_space<hbm>>) target(%dma_start3A_201 : memref<256xi32, #tpu.memory_space<vmem>>) target_semaphore(%run_scoped3A : memref<!tpu.dma_semaphore, #tpu.memory_space<semaphore_mem>>)
        %dma_wait3A_203 = arith.constant 0 : i32
        %dma_wait3A_204 = tpu.memref_slice %arg16[%dma_wait3A_203] : memref<256xi32, #tpu.memory_space<vmem>> -> memref<256xi32, #tpu.memory_space<vmem>>
        %dma_wait3A_205 = tpu.memref_slice %arg3[%add3A_160] : memref<819200xi32, #tpu.memory_space<hbm>> -> memref<256xi32, #tpu.memory_space<hbm>>
        %dma_wait3A_206 = arith.constant 0 : i32
        %dma_wait3A_207 = tpu.memref_slice %arg16[%dma_wait3A_206] : memref<256xi32, #tpu.memory_space<vmem>> -> memref<256xi32, #tpu.memory_space<vmem>>
        %dma_wait3A_208 = tpu.memref_slice %arg3[%add3A_160] : memref<819200xi32, #tpu.memory_space<hbm>> -> memref<256xi32, #tpu.memory_space<hbm>>
        tpu.wait_dma2 semaphore(%run_scoped3A : memref<!tpu.dma_semaphore, #tpu.memory_space<semaphore_mem>>) src(%dma_wait3A_208 : memref<256xi32, #tpu.memory_space<hbm>>) dst(%dma_wait3A_207 : memref<256xi32, #tpu.memory_space<vmem>>)
        tpu.yield
      }) : () -> ()
      %dma_start3A_161 = arith.constant 0 : i32
      %dma_start3A_162 = arith.constant 0 : i32
      %dma_start3A_163 = tpu.memref_slice %arg17[%dma_start3A_161, %dma_start3A_162] : memref<256x128xf32, #tpu.memory_space<vmem>> -> memref<256x128xf32, #tpu.memory_space<vmem>>
      %dma_start3A_164 = arith.constant 0 : i32
      %dma_start3A_165 = tpu.memref_slice %arg16[%dma_start3A_164] : memref<256xi32, #tpu.memory_space<vmem>> -> memref<256xi32, #tpu.memory_space<vmem>>
      %dma_start3A_166 = arith.constant 0 : i32
      %dma_start3A_167 = arith.constant 0 : i32
      %dma_start3A_168 = tpu.memref_slice %arg8[%dma_start3A_166, %dma_start3A_167] : memref<100000x128xf32, #tpu.memory_space<hbm>> -> memref<100000x128xf32, #tpu.memory_space<hbm>>
      tpu.enqueue_indirect_dma source(%dma_start3A_168 : memref<100000x128xf32, #tpu.memory_space<hbm>>) target(%dma_start3A_163 : memref<256x128xf32, #tpu.memory_space<vmem>>) offsets(%dma_start3A_165 : memref<256xi32, #tpu.memory_space<vmem>>) semaphore(%arg18 : memref<!tpu.dma_semaphore, #tpu.memory_space<semaphore_mem>>)
      %dma_wait3A_169 = arith.constant 0 : i32
      %dma_wait3A_170 = arith.constant 0 : i32
      %dma_wait3A_171 = tpu.memref_slice %arg17[%dma_wait3A_169, %dma_wait3A_170] : memref<256x128xf32, #tpu.memory_space<vmem>> -> memref<256x128xf32, #tpu.memory_space<vmem>>
      %dma_wait3A_172 = arith.constant 0 : i32
      %dma_wait3A_173 = tpu.memref_slice %arg16[%dma_wait3A_172] : memref<256xi32, #tpu.memory_space<vmem>> -> memref<256xi32, #tpu.memory_space<vmem>>
      %dma_wait3A_174 = arith.constant 0 : i32
      %dma_wait3A_175 = arith.constant 0 : i32
      %dma_wait3A_176 = tpu.memref_slice %arg8[%dma_wait3A_174, %dma_wait3A_175] : memref<100000x128xf32, #tpu.memory_space<hbm>> -> memref<100000x128xf32, #tpu.memory_space<hbm>>
      tpu.wait_indirect_dma semaphore(%arg18 : memref<!tpu.dma_semaphore, #tpu.memory_space<semaphore_mem>>) src(%dma_wait3A_176 : memref<100000x128xf32, #tpu.memory_space<hbm>>) dst(%dma_wait3A_171 : memref<256x128xf32, #tpu.memory_space<vmem>>)
      %dma_start3A_177 = arith.constant 0 : i32
      %dma_start3A_178 = arith.constant 0 : i32
      %dma_start3A_179 = tpu.memref_slice %arg17[%dma_start3A_177, %dma_start3A_178] : memref<256x128xf32, #tpu.memory_space<vmem>> -> memref<256x128xf32, #tpu.memory_space<vmem>>
      %dma_start3A_180 = arith.constant 0 : i32
      %dma_start3A_181 = tpu.memref_slice %arg13[%add3A_160, %dma_start3A_180] : memref<819200x128xf32, #tpu.memory_space<hbm>> -> memref<256x128xf32, #tpu.memory_space<hbm>>
      %dma_start3A_182 = arith.constant 0 : i32
      %dma_start3A_183 = tpu.memref_slice %arg13[%add3A_160, %dma_start3A_182] : memref<819200x128xf32, #tpu.memory_space<hbm>> -> memref<256x128xf32, #tpu.memory_space<hbm>>
      %dma_start3A_184 = arith.constant 0 : i32
      %dma_start3A_185 = arith.constant 0 : i32
      %dma_start3A_186 = tpu.memref_slice %arg17[%dma_start3A_184, %dma_start3A_185] : memref<256x128xf32, #tpu.memory_space<vmem>> -> memref<256x128xf32, #tpu.memory_space<vmem>>
      tpu.enqueue_dma source(%dma_start3A_186 : memref<256x128xf32, #tpu.memory_space<vmem>>) target(%dma_start3A_183 : memref<256x128xf32, #tpu.memory_space<hbm>>) target_semaphore(%arg19 : memref<!tpu.dma_semaphore, #tpu.memory_space<semaphore_mem>>)
      %dma_wait3A_187 = arith.constant 0 : i32
      %dma_wait3A_188 = arith.constant 0 : i32
      %dma_wait3A_189 = tpu.memref_slice %arg17[%dma_wait3A_187, %dma_wait3A_188] : memref<256x128xf32, #tpu.memory_space<vmem>> -> memref<256x128xf32, #tpu.memory_space<vmem>>
      %dma_wait3A_190 = arith.constant 0 : i32
      %dma_wait3A_191 = tpu.memref_slice %arg13[%add3A_160, %dma_wait3A_190] : memref<819200x128xf32, #tpu.memory_space<hbm>> -> memref<256x128xf32, #tpu.memory_space<hbm>>
      %dma_wait3A_192 = arith.constant 0 : i32
      %dma_wait3A_193 = tpu.memref_slice %arg13[%add3A_160, %dma_wait3A_192] : memref<819200x128xf32, #tpu.memory_space<hbm>> -> memref<256x128xf32, #tpu.memory_space<hbm>>
      %dma_wait3A_194 = arith.constant 0 : i32
      %dma_wait3A_195 = arith.constant 0 : i32
      %dma_wait3A_196 = tpu.memref_slice %arg17[%dma_wait3A_194, %dma_wait3A_195] : memref<256x128xf32, #tpu.memory_space<vmem>> -> memref<256x128xf32, #tpu.memory_space<vmem>>
      tpu.wait_dma2 semaphore(%arg19 : memref<!tpu.dma_semaphore, #tpu.memory_space<semaphore_mem>>) src(%dma_wait3A_196 : memref<256x128xf32, #tpu.memory_space<vmem>>) dst(%dma_wait3A_193 : memref<256x128xf32, #tpu.memory_space<hbm>>)
    }
    %scan3A_13 = arith.constant 100 : i32
    %mul3A_14 = arith.constant 128 : i32
    %mul3A_15 = arith.muli %add3A, %mul3A_14 : i32
    %scan3A_16 = arith.constant 0 : i32
    %mul3A_17 = arith.constant 1 : i32
    %mul3A_18 = arith.muli %scan3A_16, %mul3A_17 : i32
    %add3A_19 = arith.constant 0 : i32
    %add3A_20 = arith.addi %add3A_19, %mul3A_18 : i32
    %mul3A_21 = arith.constant 128 : i32
    %mul3A_22 = arith.muli %add3A_20, %mul3A_21 : i32
    %add3A_23 = arith.addi %mul3A_15, %mul3A_22 : i32
    "tpu.region"() ({
      %run_scoped3A = tpu.sem_alloc : memref<!tpu.dma_semaphore, #tpu.memory_space<semaphore_mem>>
      %dma_start3A_153 = arith.constant 0 : i32
      %dma_start3A_154 = tpu.memref_slice %arg16[%dma_start3A_153] : memref<256xi32, #tpu.memory_space<vmem>> -> memref<128xi32, #tpu.memory_space<vmem>>
      %dma_start3A_155 = tpu.memref_slice %arg4[%add3A_23] : memref<4096xi32, #tpu.memory_space<hbm>> -> memref<128xi32, #tpu.memory_space<hbm>>
      %dma_start3A_156 = arith.constant 0 : i32
      %dma_start3A_157 = tpu.memref_slice %arg16[%dma_start3A_156] : memref<256xi32, #tpu.memory_space<vmem>> -> memref<128xi32, #tpu.memory_space<vmem>>
      %dma_start3A_158 = tpu.memref_slice %arg4[%add3A_23] : memref<4096xi32, #tpu.memory_space<hbm>> -> memref<128xi32, #tpu.memory_space<hbm>>
      tpu.enqueue_dma source(%dma_start3A_158 : memref<128xi32, #tpu.memory_space<hbm>>) target(%dma_start3A_157 : memref<128xi32, #tpu.memory_space<vmem>>) target_semaphore(%run_scoped3A : memref<!tpu.dma_semaphore, #tpu.memory_space<semaphore_mem>>)
      %dma_wait3A_159 = arith.constant 0 : i32
      %dma_wait3A_160 = tpu.memref_slice %arg16[%dma_wait3A_159] : memref<256xi32, #tpu.memory_space<vmem>> -> memref<128xi32, #tpu.memory_space<vmem>>
      %dma_wait3A_161 = tpu.memref_slice %arg4[%add3A_23] : memref<4096xi32, #tpu.memory_space<hbm>> -> memref<128xi32, #tpu.memory_space<hbm>>
      %dma_wait3A_162 = arith.constant 0 : i32
      %dma_wait3A_163 = tpu.memref_slice %arg16[%dma_wait3A_162] : memref<256xi32, #tpu.memory_space<vmem>> -> memref<128xi32, #tpu.memory_space<vmem>>
      %dma_wait3A_164 = tpu.memref_slice %arg4[%add3A_23] : memref<4096xi32, #tpu.memory_space<hbm>> -> memref<128xi32, #tpu.memory_space<hbm>>
      tpu.wait_dma2 semaphore(%run_scoped3A : memref<!tpu.dma_semaphore, #tpu.memory_space<semaphore_mem>>) src(%dma_wait3A_164 : memref<128xi32, #tpu.memory_space<hbm>>) dst(%dma_wait3A_163 : memref<128xi32, #tpu.memory_space<vmem>>)
      tpu.yield
    }) : () -> ()
    %dma_start3A = arith.constant 0 : i32
    %dma_start3A_24 = arith.constant 0 : i32
    %dma_start3A_25 = tpu.memref_slice %arg17[%dma_start3A, %dma_start3A_24] : memref<256x128xf32, #tpu.memory_space<vmem>> -> memref<128x128xf32, #tpu.memory_space<vmem>>
    %dma_start3A_26 = arith.constant 0 : i32
    %dma_start3A_27 = tpu.memref_slice %arg16[%dma_start3A_26] : memref<256xi32, #tpu.memory_space<vmem>> -> memref<128xi32, #tpu.memory_space<vmem>>
    %dma_start3A_28 = arith.constant 0 : i32
    %dma_start3A_29 = arith.constant 0 : i32
    %dma_start3A_30 = tpu.memref_slice %arg9[%dma_start3A_28, %dma_start3A_29] : memref<100000x128xf32, #tpu.memory_space<hbm>> -> memref<100000x128xf32, #tpu.memory_space<hbm>>
    tpu.enqueue_indirect_dma source(%dma_start3A_30 : memref<100000x128xf32, #tpu.memory_space<hbm>>) target(%dma_start3A_25 : memref<128x128xf32, #tpu.memory_space<vmem>>) offsets(%dma_start3A_27 : memref<128xi32, #tpu.memory_space<vmem>>) semaphore(%arg18 : memref<!tpu.dma_semaphore, #tpu.memory_space<semaphore_mem>>)
    %dma_wait3A = arith.constant 0 : i32
    %dma_wait3A_31 = arith.constant 0 : i32
    %dma_wait3A_32 = tpu.memref_slice %arg17[%dma_wait3A, %dma_wait3A_31] : memref<256x128xf32, #tpu.memory_space<vmem>> -> memref<128x128xf32, #tpu.memory_space<vmem>>
    %dma_wait3A_33 = arith.constant 0 : i32
    %dma_wait3A_34 = tpu.memref_slice %arg16[%dma_wait3A_33] : memref<256xi32, #tpu.memory_space<vmem>> -> memref<128xi32, #tpu.memory_space<vmem>>
    %dma_wait3A_35 = arith.constant 0 : i32
    %dma_wait3A_36 = arith.constant 0 : i32
    %dma_wait3A_37 = tpu.memref_slice %arg9[%dma_wait3A_35, %dma_wait3A_36] : memref<100000x128xf32, #tpu.memory_space<hbm>> -> memref<100000x128xf32, #tpu.memory_space<hbm>>
    tpu.wait_indirect_dma semaphore(%arg18 : memref<!tpu.dma_semaphore, #tpu.memory_space<semaphore_mem>>) src(%dma_wait3A_37 : memref<100000x128xf32, #tpu.memory_space<hbm>>) dst(%dma_wait3A_32 : memref<128x128xf32, #tpu.memory_space<vmem>>)
    %dma_start3A_38 = arith.constant 0 : i32
    %dma_start3A_39 = arith.constant 0 : i32
    %dma_start3A_40 = tpu.memref_slice %arg17[%dma_start3A_38, %dma_start3A_39] : memref<256x128xf32, #tpu.memory_space<vmem>> -> memref<128x128xf32, #tpu.memory_space<vmem>>
    %dma_start3A_41 = arith.constant 0 : i32
    %dma_start3A_42 = tpu.memref_slice %arg14[%add3A_23, %dma_start3A_41] : memref<4096x448xf32, #tpu.memory_space<hbm>> -> memref<128x128xf32, #tpu.memory_space<hbm>>
    %dma_start3A_43 = arith.constant 0 : i32
    %dma_start3A_44 = tpu.memref_slice %arg14[%add3A_23, %dma_start3A_43] : memref<4096x448xf32, #tpu.memory_space<hbm>> -> memref<128x128xf32, #tpu.memory_space<hbm>>
    %dma_start3A_45 = arith.constant 0 : i32
    %dma_start3A_46 = arith.constant 0 : i32
    %dma_start3A_47 = tpu.memref_slice %arg17[%dma_start3A_45, %dma_start3A_46] : memref<256x128xf32, #tpu.memory_space<vmem>> -> memref<128x128xf32, #tpu.memory_space<vmem>>
    tpu.enqueue_dma source(%dma_start3A_47 : memref<128x128xf32, #tpu.memory_space<vmem>>) target(%dma_start3A_44 : memref<128x128xf32, #tpu.memory_space<hbm>>) target_semaphore(%arg19 : memref<!tpu.dma_semaphore, #tpu.memory_space<semaphore_mem>>)
    %dma_wait3A_48 = arith.constant 0 : i32
    %dma_wait3A_49 = arith.constant 0 : i32
    %dma_wait3A_50 = tpu.memref_slice %arg17[%dma_wait3A_48, %dma_wait3A_49] : memref<256x128xf32, #tpu.memory_space<vmem>> -> memref<128x128xf32, #tpu.memory_space<vmem>>
    %dma_wait3A_51 = arith.constant 0 : i32
    %dma_wait3A_52 = tpu.memref_slice %arg14[%add3A_23, %dma_wait3A_51] : memref<4096x448xf32, #tpu.memory_space<hbm>> -> memref<128x128xf32, #tpu.memory_space<hbm>>
    %dma_wait3A_53 = arith.constant 0 : i32
    %dma_wait3A_54 = tpu.memref_slice %arg14[%add3A_23, %dma_wait3A_53] : memref<4096x448xf32, #tpu.memory_space<hbm>> -> memref<128x128xf32, #tpu.memory_space<hbm>>
    %dma_wait3A_55 = arith.constant 0 : i32
    %dma_wait3A_56 = arith.constant 0 : i32
    %dma_wait3A_57 = tpu.memref_slice %arg17[%dma_wait3A_55, %dma_wait3A_56] : memref<256x128xf32, #tpu.memory_space<vmem>> -> memref<128x128xf32, #tpu.memory_space<vmem>>
    tpu.wait_dma2 semaphore(%arg19 : memref<!tpu.dma_semaphore, #tpu.memory_space<semaphore_mem>>) src(%dma_wait3A_57 : memref<128x128xf32, #tpu.memory_space<vmem>>) dst(%dma_wait3A_54 : memref<128x128xf32, #tpu.memory_space<hbm>>)
    %scan3A_58 = arith.constant 1 : i32
    %mul3A_59 = arith.constant 128 : i32
    %mul3A_60 = arith.muli %add3A, %mul3A_59 : i32
    %scan3A_61 = arith.constant 0 : i32
    %mul3A_62 = arith.constant 1 : i32
    %mul3A_63 = arith.muli %scan3A_61, %mul3A_62 : i32
    %add3A_64 = arith.constant 0 : i32
    %add3A_65 = arith.addi %add3A_64, %mul3A_63 : i32
    %mul3A_66 = arith.constant 128 : i32
    %mul3A_67 = arith.muli %add3A_65, %mul3A_66 : i32
    %add3A_68 = arith.addi %mul3A_60, %mul3A_67 : i32
    "tpu.region"() ({
      %run_scoped3A = tpu.sem_alloc : memref<!tpu.dma_semaphore, #tpu.memory_space<semaphore_mem>>
      %dma_start3A_153 = arith.constant 0 : i32
      %dma_start3A_154 = tpu.memref_slice %arg16[%dma_start3A_153] : memref<256xi32, #tpu.memory_space<vmem>> -> memref<128xi32, #tpu.memory_space<vmem>>
      %dma_start3A_155 = tpu.memref_slice %arg5[%add3A_68] : memref<4096xi32, #tpu.memory_space<hbm>> -> memref<128xi32, #tpu.memory_space<hbm>>
      %dma_start3A_156 = arith.constant 0 : i32
      %dma_start3A_157 = tpu.memref_slice %arg16[%dma_start3A_156] : memref<256xi32, #tpu.memory_space<vmem>> -> memref<128xi32, #tpu.memory_space<vmem>>
      %dma_start3A_158 = tpu.memref_slice %arg5[%add3A_68] : memref<4096xi32, #tpu.memory_space<hbm>> -> memref<128xi32, #tpu.memory_space<hbm>>
      tpu.enqueue_dma source(%dma_start3A_158 : memref<128xi32, #tpu.memory_space<hbm>>) target(%dma_start3A_157 : memref<128xi32, #tpu.memory_space<vmem>>) target_semaphore(%run_scoped3A : memref<!tpu.dma_semaphore, #tpu.memory_space<semaphore_mem>>)
      %dma_wait3A_159 = arith.constant 0 : i32
      %dma_wait3A_160 = tpu.memref_slice %arg16[%dma_wait3A_159] : memref<256xi32, #tpu.memory_space<vmem>> -> memref<128xi32, #tpu.memory_space<vmem>>
      %dma_wait3A_161 = tpu.memref_slice %arg5[%add3A_68] : memref<4096xi32, #tpu.memory_space<hbm>> -> memref<128xi32, #tpu.memory_space<hbm>>
      %dma_wait3A_162 = arith.constant 0 : i32
      %dma_wait3A_163 = tpu.memref_slice %arg16[%dma_wait3A_162] : memref<256xi32, #tpu.memory_space<vmem>> -> memref<128xi32, #tpu.memory_space<vmem>>
      %dma_wait3A_164 = tpu.memref_slice %arg5[%add3A_68] : memref<4096xi32, #tpu.memory_space<hbm>> -> memref<128xi32, #tpu.memory_space<hbm>>
      tpu.wait_dma2 semaphore(%run_scoped3A : memref<!tpu.dma_semaphore, #tpu.memory_space<semaphore_mem>>) src(%dma_wait3A_164 : memref<128xi32, #tpu.memory_space<hbm>>) dst(%dma_wait3A_163 : memref<128xi32, #tpu.memory_space<vmem>>)
      tpu.yield
    }) : () -> ()
    %dma_start3A_69 = arith.constant 0 : i32
    %dma_start3A_70 = arith.constant 0 : i32
    %dma_start3A_71 = tpu.memref_slice %arg17[%dma_start3A_69, %dma_start3A_70] : memref<256x128xf32, #tpu.memory_space<vmem>> -> memref<128x128xf32, #tpu.memory_space<vmem>>
    %dma_start3A_72 = arith.constant 0 : i32
    %dma_start3A_73 = tpu.memref_slice %arg16[%dma_start3A_72] : memref<256xi32, #tpu.memory_space<vmem>> -> memref<128xi32, #tpu.memory_space<vmem>>
    %dma_start3A_74 = arith.constant 0 : i32
    %dma_start3A_75 = arith.constant 0 : i32
    %dma_start3A_76 = tpu.memref_slice %arg10[%dma_start3A_74, %dma_start3A_75] : memref<100000x128xf32, #tpu.memory_space<hbm>> -> memref<100000x128xf32, #tpu.memory_space<hbm>>
    tpu.enqueue_indirect_dma source(%dma_start3A_76 : memref<100000x128xf32, #tpu.memory_space<hbm>>) target(%dma_start3A_71 : memref<128x128xf32, #tpu.memory_space<vmem>>) offsets(%dma_start3A_73 : memref<128xi32, #tpu.memory_space<vmem>>) semaphore(%arg18 : memref<!tpu.dma_semaphore, #tpu.memory_space<semaphore_mem>>)
    %dma_wait3A_77 = arith.constant 0 : i32
    %dma_wait3A_78 = arith.constant 0 : i32
    %dma_wait3A_79 = tpu.memref_slice %arg17[%dma_wait3A_77, %dma_wait3A_78] : memref<256x128xf32, #tpu.memory_space<vmem>> -> memref<128x128xf32, #tpu.memory_space<vmem>>
    %dma_wait3A_80 = arith.constant 0 : i32
    %dma_wait3A_81 = tpu.memref_slice %arg16[%dma_wait3A_80] : memref<256xi32, #tpu.memory_space<vmem>> -> memref<128xi32, #tpu.memory_space<vmem>>
    %dma_wait3A_82 = arith.constant 0 : i32
    %dma_wait3A_83 = arith.constant 0 : i32
    %dma_wait3A_84 = tpu.memref_slice %arg10[%dma_wait3A_82, %dma_wait3A_83] : memref<100000x128xf32, #tpu.memory_space<hbm>> -> memref<100000x128xf32, #tpu.memory_space<hbm>>
    tpu.wait_indirect_dma semaphore(%arg18 : memref<!tpu.dma_semaphore, #tpu.memory_space<semaphore_mem>>) src(%dma_wait3A_84 : memref<100000x128xf32, #tpu.memory_space<hbm>>) dst(%dma_wait3A_79 : memref<128x128xf32, #tpu.memory_space<vmem>>)
    %dma_start3A_85 = arith.constant 0 : i32
    %dma_start3A_86 = arith.constant 0 : i32
    %dma_start3A_87 = tpu.memref_slice %arg17[%dma_start3A_85, %dma_start3A_86] : memref<256x128xf32, #tpu.memory_space<vmem>> -> memref<128x128xf32, #tpu.memory_space<vmem>>
    %dma_start3A_88 = arith.constant 0 : i32
    %dma_start3A_89 = tpu.memref_slice %arg15[%add3A_68, %dma_start3A_88] : memref<4096x128xf32, #tpu.memory_space<hbm>> -> memref<128x128xf32, #tpu.memory_space<hbm>>
    %dma_start3A_90 = arith.constant 0 : i32
    %dma_start3A_91 = tpu.memref_slice %arg15[%add3A_68, %dma_start3A_90] : memref<4096x128xf32, #tpu.memory_space<hbm>> -> memref<128x128xf32, #tpu.memory_space<hbm>>
    %dma_start3A_92 = arith.constant 0 : i32
    %dma_start3A_93 = arith.constant 0 : i32
    %dma_start3A_94 = tpu.memref_slice %arg17[%dma_start3A_92, %dma_start3A_93] : memref<256x128xf32, #tpu.memory_space<vmem>> -> memref<128x128xf32, #tpu.memory_space<vmem>>
    tpu.enqueue_dma source(%dma_start3A_94 : memref<128x128xf32, #tpu.memory_space<vmem>>) target(%dma_start3A_91 : memref<128x128xf32, #tpu.memory_space<hbm>>) target_semaphore(%arg19 : memref<!tpu.dma_semaphore, #tpu.memory_space<semaphore_mem>>)
    %dma_wait3A_95 = arith.constant 0 : i32
    %dma_wait3A_96 = arith.constant 0 : i32
    %dma_wait3A_97 = tpu.memref_slice %arg17[%dma_wait3A_95, %dma_wait3A_96] : memref<256x128xf32, #tpu.memory_space<vmem>> -> memref<128x128xf32, #tpu.memory_space<vmem>>
    %dma_wait3A_98 = arith.constant 0 : i32
    %dma_wait3A_99 = tpu.memref_slice %arg15[%add3A_68, %dma_wait3A_98] : memref<4096x128xf32, #tpu.memory_space<hbm>> -> memref<128x128xf32, #tpu.memory_space<hbm>>
    %dma_wait3A_100 = arith.constant 0 : i32
    %dma_wait3A_101 = tpu.memref_slice %arg15[%add3A_68, %dma_wait3A_100] : memref<4096x128xf32, #tpu.memory_space<hbm>> -> memref<128x128xf32, #tpu.memory_space<hbm>>
    %dma_wait3A_102 = arith.constant 0 : i32
    %dma_wait3A_103 = arith.constant 0 : i32
    %dma_wait3A_104 = tpu.memref_slice %arg17[%dma_wait3A_102, %dma_wait3A_103] : memref<256x128xf32, #tpu.memory_space<vmem>> -> memref<128x128xf32, #tpu.memory_space<vmem>>
    tpu.wait_dma2 semaphore(%arg19 : memref<!tpu.dma_semaphore, #tpu.memory_space<semaphore_mem>>) src(%dma_wait3A_104 : memref<128x128xf32, #tpu.memory_space<vmem>>) dst(%dma_wait3A_101 : memref<128x128xf32, #tpu.memory_space<hbm>>)
    %scan3A_105 = arith.constant 1 : i32
    %mul3A_106 = arith.constant 128 : i32
    %mul3A_107 = arith.muli %add3A, %mul3A_106 : i32
    %scan3A_108 = arith.constant 0 : i32
    %mul3A_109 = arith.constant 1 : i32
    %mul3A_110 = arith.muli %scan3A_108, %mul3A_109 : i32
    %add3A_111 = arith.constant 0 : i32
    %add3A_112 = arith.addi %add3A_111, %mul3A_110 : i32
    %mul3A_113 = arith.constant 128 : i32
    %mul3A_114 = arith.muli %add3A_112, %mul3A_113 : i32
    %add3A_115 = arith.addi %mul3A_107, %mul3A_114 : i32
    "tpu.region"() ({
      %run_scoped3A = tpu.sem_alloc : memref<!tpu.dma_semaphore, #tpu.memory_space<semaphore_mem>>
      %dma_start3A_153 = arith.constant 0 : i32
      %dma_start3A_154 = tpu.memref_slice %arg16[%dma_start3A_153] : memref<256xi32, #tpu.memory_space<vmem>> -> memref<128xi32, #tpu.memory_space<vmem>>
      %dma_start3A_155 = tpu.memref_slice %arg6[%add3A_115] : memref<4096xi32, #tpu.memory_space<hbm>> -> memref<128xi32, #tpu.memory_space<hbm>>
      %dma_start3A_156 = arith.constant 0 : i32
      %dma_start3A_157 = tpu.memref_slice %arg16[%dma_start3A_156] : memref<256xi32, #tpu.memory_space<vmem>> -> memref<128xi32, #tpu.memory_space<vmem>>
      %dma_start3A_158 = tpu.memref_slice %arg6[%add3A_115] : memref<4096xi32, #tpu.memory_space<hbm>> -> memref<128xi32, #tpu.memory_space<hbm>>
      tpu.enqueue_dma source(%dma_start3A_158 : memref<128xi32, #tpu.memory_space<hbm>>) target(%dma_start3A_157 : memref<128xi32, #tpu.memory_space<vmem>>) target_semaphore(%run_scoped3A : memref<!tpu.dma_semaphore, #tpu.memory_space<semaphore_mem>>)
      %dma_wait3A_159 = arith.constant 0 : i32
      %dma_wait3A_160 = tpu.memref_slice %arg16[%dma_wait3A_159] : memref<256xi32, #tpu.memory_space<vmem>> -> memref<128xi32, #tpu.memory_space<vmem>>
      %dma_wait3A_161 = tpu.memref_slice %arg6[%add3A_115] : memref<4096xi32, #tpu.memory_space<hbm>> -> memref<128xi32, #tpu.memory_space<hbm>>
      %dma_wait3A_162 = arith.constant 0 : i32
      %dma_wait3A_163 = tpu.memref_slice %arg16[%dma_wait3A_162] : memref<256xi32, #tpu.memory_space<vmem>> -> memref<128xi32, #tpu.memory_space<vmem>>
      %dma_wait3A_164 = tpu.memref_slice %arg6[%add3A_115] : memref<4096xi32, #tpu.memory_space<hbm>> -> memref<128xi32, #tpu.memory_space<hbm>>
      tpu.wait_dma2 semaphore(%run_scoped3A : memref<!tpu.dma_semaphore, #tpu.memory_space<semaphore_mem>>) src(%dma_wait3A_164 : memref<128xi32, #tpu.memory_space<hbm>>) dst(%dma_wait3A_163 : memref<128xi32, #tpu.memory_space<vmem>>)
      tpu.yield
    }) : () -> ()
    %dma_start3A_116 = arith.constant 0 : i32
    %dma_start3A_117 = arith.constant 0 : i32
    %dma_start3A_118 = tpu.memref_slice %arg17[%dma_start3A_116, %dma_start3A_117] : memref<256x128xf32, #tpu.memory_space<vmem>> -> memref<128x128xf32, #tpu.memory_space<vmem>>
    %dma_start3A_119 = arith.constant 0 : i32
    %dma_start3A_120 = tpu.memref_slice %arg16[%dma_start3A_119] : memref<256xi32, #tpu.memory_space<vmem>> -> memref<128xi32, #tpu.memory_space<vmem>>
    %dma_start3A_121 = arith.constant 0 : i32
    %dma_start3A_122 = arith.constant 0 : i32
    %dma_start3A_123 = tpu.memref_slice %arg11[%dma_start3A_121, %dma_start3A_122] : memref<1000x128xf32, #tpu.memory_space<hbm>> -> memref<1000x128xf32, #tpu.memory_space<hbm>>
    tpu.enqueue_indirect_dma source(%dma_start3A_123 : memref<1000x128xf32, #tpu.memory_space<hbm>>) target(%dma_start3A_118 : memref<128x128xf32, #tpu.memory_space<vmem>>) offsets(%dma_start3A_120 : memref<128xi32, #tpu.memory_space<vmem>>) semaphore(%arg18 : memref<!tpu.dma_semaphore, #tpu.memory_space<semaphore_mem>>)
    %dma_wait3A_124 = arith.constant 0 : i32
    %dma_wait3A_125 = arith.constant 0 : i32
    %dma_wait3A_126 = tpu.memref_slice %arg17[%dma_wait3A_124, %dma_wait3A_125] : memref<256x128xf32, #tpu.memory_space<vmem>> -> memref<128x128xf32, #tpu.memory_space<vmem>>
    %dma_wait3A_127 = arith.constant 0 : i32
    %dma_wait3A_128 = tpu.memref_slice %arg16[%dma_wait3A_127] : memref<256xi32, #tpu.memory_space<vmem>> -> memref<128xi32, #tpu.memory_space<vmem>>
    %dma_wait3A_129 = arith.constant 0 : i32
    %dma_wait3A_130 = arith.constant 0 : i32
    %dma_wait3A_131 = tpu.memref_slice %arg11[%dma_wait3A_129, %dma_wait3A_130] : memref<1000x128xf32, #tpu.memory_space<hbm>> -> memref<1000x128xf32, #tpu.memory_space<hbm>>
    tpu.wait_indirect_dma semaphore(%arg18 : memref<!tpu.dma_semaphore, #tpu.memory_space<semaphore_mem>>) src(%dma_wait3A_131 : memref<1000x128xf32, #tpu.memory_space<hbm>>) dst(%dma_wait3A_126 : memref<128x128xf32, #tpu.memory_space<vmem>>)
    %dma_start3A_132 = arith.constant 0 : i32
    %dma_start3A_133 = arith.constant 0 : i32
    %dma_start3A_134 = tpu.memref_slice %arg17[%dma_start3A_132, %dma_start3A_133] : memref<256x128xf32, #tpu.memory_space<vmem>> -> memref<128x128xf32, #tpu.memory_space<vmem>>
    %dma_start3A_135 = arith.constant 128 : i32
    %dma_start3A_136 = tpu.memref_slice %arg14[%add3A_115, %dma_start3A_135] : memref<4096x448xf32, #tpu.memory_space<hbm>> -> memref<128x128xf32, #tpu.memory_space<hbm>>
    %dma_start3A_137 = arith.constant 128 : i32
    %dma_start3A_138 = tpu.memref_slice %arg14[%add3A_115, %dma_start3A_137] : memref<4096x448xf32, #tpu.memory_space<hbm>> -> memref<128x128xf32, #tpu.memory_space<hbm>>
    %dma_start3A_139 = arith.constant 0 : i32
    %dma_start3A_140 = arith.constant 0 : i32
    %dma_start3A_141 = tpu.memref_slice %arg17[%dma_start3A_139, %dma_start3A_140] : memref<256x128xf32, #tpu.memory_space<vmem>> -> memref<128x128xf32, #tpu.memory_space<vmem>>
    tpu.enqueue_dma source(%dma_start3A_141 : memref<128x128xf32, #tpu.memory_space<vmem>>) target(%dma_start3A_138 : memref<128x128xf32, #tpu.memory_space<hbm>>) target_semaphore(%arg19 : memref<!tpu.dma_semaphore, #tpu.memory_space<semaphore_mem>>)
    %dma_wait3A_142 = arith.constant 0 : i32
    %dma_wait3A_143 = arith.constant 0 : i32
    %dma_wait3A_144 = tpu.memref_slice %arg17[%dma_wait3A_142, %dma_wait3A_143] : memref<256x128xf32, #tpu.memory_space<vmem>> -> memref<128x128xf32, #tpu.memory_space<vmem>>
    %dma_wait3A_145 = arith.constant 128 : i32
    %dma_wait3A_146 = tpu.memref_slice %arg14[%add3A_115, %dma_wait3A_145] : memref<4096x448xf32, #tpu.memory_space<hbm>> -> memref<128x128xf32, #tpu.memory_space<hbm>>
    %dma_wait3A_147 = arith.constant 128 : i32
    %dma_wait3A_148 = tpu.memref_slice %arg14[%add3A_115, %dma_wait3A_147] : memref<4096x448xf32, #tpu.memory_space<hbm>> -> memref<128x128xf32, #tpu.memory_space<hbm>>
    %dma_wait3A_149 = arith.constant 0 : i32
    %dma_wait3A_150 = arith.constant 0 : i32
    %dma_wait3A_151 = tpu.memref_slice %arg17[%dma_wait3A_149, %dma_wait3A_150] : memref<256x128xf32, #tpu.memory_space<vmem>> -> memref<128x128xf32, #tpu.memory_space<vmem>>
    tpu.wait_dma2 semaphore(%arg19 : memref<!tpu.dma_semaphore, #tpu.memory_space<semaphore_mem>>) src(%dma_wait3A_151 : memref<128x128xf32, #tpu.memory_space<vmem>>) dst(%dma_wait3A_148 : memref<128x128xf32, #tpu.memory_space<hbm>>)
    %scan3A_152 = arith.constant 1 : i32
    return
  }
}

module attributes {stable_mosaic.version = 14 : i64} {
  func.func @tgt_body(%arg0: i32, %arg1: memref<2048x1xf32, #tpu.memory_space<vmem>>, %arg2: memref<1x64xf32, #tpu.memory_space<vmem>>, %arg3: memref<1x64xf32, #tpu.memory_space<vmem>>, %arg4: memref<2048x64xf32, #tpu.memory_space<vmem>>) attributes {dimension_semantics = [#tpu.dimension_semantics<arbitrary>], iteration_bounds = array<i64: 400>, scalar_prefetch = 0 : i64, scratch_operands = 0 : i64, tpu.core_type = #tpu.core_type<tc>, window_params = [{transform_indices = @transform_0, window_bounds = array<i64: 2048, 1>}, {pipeline_mode = #tpu.pipeline_mode<synchronous>, transform_indices = @transform_1, window_bounds = array<i64: 1, 64>}, {pipeline_mode = #tpu.pipeline_mode<synchronous>, transform_indices = @transform_2, window_bounds = array<i64: 1, 64>}, {transform_indices = @transform_3, window_bounds = array<i64: 2048, 64>}]} {
    %get3A = arith.constant 0 : index
    %get3A_0 = arith.constant 0 : index
    %get3A_1 = vector.load %arg1[%get3A, %get3A_0] : memref<2048x1xf32, #tpu.memory_space<vmem>>, vector<2048x1xf32>
    %get3A_2 = arith.constant 0 : index
    %get3A_3 = arith.constant 0 : index
    %get3A_4 = vector.load %arg2[%get3A_2, %get3A_3] : memref<1x64xf32, #tpu.memory_space<vmem>>, vector<1x64xf32>
    %mul3A = vector.broadcast %get3A_1 : vector<2048x1xf32> to vector<2048x64xf32>
    %mul3A_5 = vector.broadcast %get3A_4 : vector<1x64xf32> to vector<2048x64xf32>
    %mul3A_6 = arith.mulf %mul3A, %mul3A_5 : vector<2048x64xf32>
    %get3A_7 = arith.constant 0 : index
    %get3A_8 = arith.constant 0 : index
    %get3A_9 = vector.load %arg3[%get3A_7, %get3A_8] : memref<1x64xf32, #tpu.memory_space<vmem>>, vector<1x64xf32>
    %add3A = vector.broadcast %get3A_9 : vector<1x64xf32> to vector<2048x64xf32>
    %add3A_10 = arith.addf %mul3A_6, %add3A : vector<2048x64xf32>
    %swap3A = arith.constant 0 : index
    %swap3A_11 = arith.constant 0 : index
    %swap3A_12 = vector.load %arg4[%swap3A, %swap3A_11] : memref<2048x64xf32, #tpu.memory_space<vmem>>, vector<2048x64xf32>
    tpu.vector_store %arg4[%swap3A, %swap3A_11], %add3A_10 {strides = array<i32>} : memref<2048x64xf32, #tpu.memory_space<vmem>>, vector<2048x64xf32>,
    return
  }
  func.func @transform_0(%arg0: i32) -> (i32, i32) {
    %c0_i32 = arith.constant 0 : i32
    %c0_i32_0 = arith.constant 0 : i32
    return %arg0, %c0_i32 : i32, i32
  }
  func.func @transform_1(%arg0: i32) -> (i32, i32) {
    %c0_i32 = arith.constant 0 : i32
    %c0_i32_0 = arith.constant 0 : i32
    %c0_i32_1 = arith.constant 0 : i32
    return %c0_i32, %c0_i32_0 : i32, i32
  }
  func.func @transform_2(%arg0: i32) -> (i32, i32) {
    %c0_i32 = arith.constant 0 : i32
    %c0_i32_0 = arith.constant 0 : i32
    %c0_i32_1 = arith.constant 0 : i32
    return %c0_i32, %c0_i32_0 : i32, i32
  }
  func.func @transform_3(%arg0: i32) -> (i32, i32) {
    %c0_i32 = arith.constant 0 : i32
    %c0_i32_0 = arith.constant 0 : i32
    return %arg0, %c0_i32 : i32, i32
  }
}

module attributes {stable_mosaic.version = 14 : i64} {
  func.func @obs_body(%arg0: i32, %arg1: memref<2048x128xf32, #tpu.memory_space<vmem>>, %arg2: memref<8x2048x1xf32, #tpu.memory_space<vmem>>, %arg3: memref<3x1x128xf32, #tpu.memory_space<vmem>>, %arg4: memref<3x1x128xf32, #tpu.memory_space<vmem>>, %arg5: memref<3x1x128xf32, #tpu.memory_space<vmem>>, %arg6: memref<1x128xf32, #tpu.memory_space<vmem>>, %arg7: memref<1x128xf32, #tpu.memory_space<vmem>>, %arg8: memref<1x64xf32, #tpu.memory_space<vmem>>, %arg9: memref<1x64xf32, #tpu.memory_space<vmem>>, %arg10: memref<2048x576xf32, #tpu.memory_space<vmem>>) attributes {dimension_semantics = [#tpu.dimension_semantics<arbitrary>], iteration_bounds = array<i64: 400>, scalar_prefetch = 0 : i64, scratch_operands = 0 : i64, tpu.core_type = #tpu.core_type<tc>, window_params = [{transform_indices = @transform_0, window_bounds = array<i64: 2048, 128>}, {transform_indices = @transform_1, window_bounds = array<i64: 8, 2048, 1>}, {pipeline_mode = #tpu.pipeline_mode<synchronous>, transform_indices = @transform_2, window_bounds = array<i64: 3, 1, 128>}, {pipeline_mode = #tpu.pipeline_mode<synchronous>, transform_indices = @transform_3, window_bounds = array<i64: 3, 1, 128>}, {pipeline_mode = #tpu.pipeline_mode<synchronous>, transform_indices = @transform_4, window_bounds = array<i64: 3, 1, 128>}, {pipeline_mode = #tpu.pipeline_mode<synchronous>, transform_indices = @transform_5, window_bounds = array<i64: 1, 128>}, {pipeline_mode = #tpu.pipeline_mode<synchronous>, transform_indices = @transform_6, window_bounds = array<i64: 1, 128>}, {pipeline_mode = #tpu.pipeline_mode<synchronous>, transform_indices = @transform_7, window_bounds = array<i64: 1, 64>}, {pipeline_mode = #tpu.pipeline_mode<synchronous>, transform_indices = @transform_8, window_bounds = array<i64: 1, 64>}, {transform_indices = @transform_9, window_bounds = array<i64: 2048, 576>}]} {
    %get3A = arith.constant 0 : index
    %get3A_0 = arith.constant 0 : index
    %get3A_1 = vector.load %arg1[%get3A, %get3A_0] : memref<2048x128xf32, #tpu.memory_space<vmem>>, vector<2048x128xf32>
    %get3A_2 = arith.constant 0 : index
    %get3A_3 = arith.constant 0 : index
    %get3A_4 = arith.constant 0 : index
    %get3A_5 = vector.load %arg2[%get3A_2, %get3A_3, %get3A_4] : memref<8x2048x1xf32, #tpu.memory_space<vmem>>, vector<1x2048x1xf32>
    %get3A_6 = vector.shape_cast %get3A_5 : vector<1x2048x1xf32> to vector<2048x1xf32>
    %get3A_7 = arith.constant 0 : index
    %get3A_8 = arith.constant 0 : index
    %get3A_9 = vector.load %arg6[%get3A_7, %get3A_8] : memref<1x128xf32, #tpu.memory_space<vmem>>, vector<1x128xf32>
    %mul3A = vector.broadcast %get3A_6 : vector<2048x1xf32> to vector<2048x128xf32>
    %mul3A_10 = vector.broadcast %get3A_9 : vector<1x128xf32> to vector<2048x128xf32>
    %mul3A_11 = arith.mulf %mul3A, %mul3A_10 : vector<2048x128xf32>
    %add3A = arith.addf %get3A_1, %mul3A_11 : vector<2048x128xf32>
    %get3A_12 = arith.constant 0 : index
    %get3A_13 = arith.constant 0 : index
    %get3A_14 = vector.load %arg7[%get3A_12, %get3A_13] : memref<1x128xf32, #tpu.memory_space<vmem>>, vector<1x128xf32>
    %add3A_15 = vector.broadcast %get3A_14 : vector<1x128xf32> to vector<2048x128xf32>
    %add3A_16 = arith.addf %add3A, %add3A_15 : vector<2048x128xf32>
    %swap3A = arith.constant 0 : index
    %swap3A_17 = arith.constant 0 : index
    %swap3A_18 = vector.load %arg10[%swap3A, %swap3A_17] : memref<2048x576xf32, #tpu.memory_space<vmem>>, vector<2048x128xf32>
    tpu.vector_store %arg10[%swap3A, %swap3A_17], %add3A_16 {strides = array<i32>} : memref<2048x576xf32, #tpu.memory_space<vmem>>, vector<2048x128xf32>,
    %get3A_19 = arith.constant 1 : index
    %get3A_20 = arith.constant 0 : index
    %get3A_21 = arith.constant 0 : index
    %get3A_22 = vector.load %arg2[%get3A_19, %get3A_20, %get3A_21] : memref<8x2048x1xf32, #tpu.memory_space<vmem>>, vector<1x2048x1xf32>
    %get3A_23 = vector.shape_cast %get3A_22 : vector<1x2048x1xf32> to vector<2048x1xf32>
    %get3A_24 = arith.constant 2 : index
    %get3A_25 = arith.constant 0 : index
    %get3A_26 = arith.constant 0 : index
    %get3A_27 = vector.load %arg2[%get3A_24, %get3A_25, %get3A_26] : memref<8x2048x1xf32, #tpu.memory_space<vmem>>, vector<1x2048x1xf32>
    %get3A_28 = vector.shape_cast %get3A_27 : vector<1x2048x1xf32> to vector<2048x1xf32>
    %get3A_29 = arith.constant 0 : index
    %get3A_30 = arith.constant 0 : index
    %get3A_31 = arith.constant 0 : index
    %get3A_32 = vector.load %arg3[%get3A_29, %get3A_30, %get3A_31] : memref<3x1x128xf32, #tpu.memory_space<vmem>>, vector<1x1x128xf32>
    %get3A_33 = vector.shape_cast %get3A_32 : vector<1x1x128xf32> to vector<1x128xf32>
    %mul3A_34 = vector.broadcast %get3A_23 : vector<2048x1xf32> to vector<2048x128xf32>
    %mul3A_35 = vector.broadcast %get3A_33 : vector<1x128xf32> to vector<2048x128xf32>
    %mul3A_36 = arith.mulf %mul3A_34, %mul3A_35 : vector<2048x128xf32>
    %get3A_37 = arith.constant 0 : index
    %get3A_38 = arith.constant 0 : index
    %get3A_39 = arith.constant 0 : index
    %get3A_40 = vector.load %arg4[%get3A_37, %get3A_38, %get3A_39] : memref<3x1x128xf32, #tpu.memory_space<vmem>>, vector<1x1x128xf32>
    %get3A_41 = vector.shape_cast %get3A_40 : vector<1x1x128xf32> to vector<1x128xf32>
    %mul3A_42 = vector.broadcast %get3A_28 : vector<2048x1xf32> to vector<2048x128xf32>
    %mul3A_43 = vector.broadcast %get3A_41 : vector<1x128xf32> to vector<2048x128xf32>
    %mul3A_44 = arith.mulf %mul3A_42, %mul3A_43 : vector<2048x128xf32>
    %add3A_45 = arith.addf %mul3A_36, %mul3A_44 : vector<2048x128xf32>
    %get3A_46 = arith.constant 0 : index
    %get3A_47 = arith.constant 0 : index
    %get3A_48 = arith.constant 0 : index
    %get3A_49 = vector.load %arg5[%get3A_46, %get3A_47, %get3A_48] : memref<3x1x128xf32, #tpu.memory_space<vmem>>, vector<1x1x128xf32>
    %get3A_50 = vector.shape_cast %get3A_49 : vector<1x1x128xf32> to vector<1x128xf32>
    %add3A_51 = vector.broadcast %get3A_50 : vector<1x128xf32> to vector<2048x128xf32>
    %add3A_52 = arith.addf %add3A_45, %add3A_51 : vector<2048x128xf32>
    %swap3A_53 = arith.constant 0 : index
    %swap3A_54 = arith.constant 128 : index
    %swap3A_55 = vector.load %arg10[%swap3A_53, %swap3A_54] : memref<2048x576xf32, #tpu.memory_space<vmem>>, vector<2048x128xf32>
    tpu.vector_store %arg10[%swap3A_53, %swap3A_54], %add3A_52 {strides = array<i32>} : memref<2048x576xf32, #tpu.memory_space<vmem>>, vector<2048x128xf32>,
    %get3A_56 = arith.constant 3 : index
    %get3A_57 = arith.constant 0 : index
    %get3A_58 = arith.constant 0 : index
    %get3A_59 = vector.load %arg2[%get3A_56, %get3A_57, %get3A_58] : memref<8x2048x1xf32, #tpu.memory_space<vmem>>, vector<1x2048x1xf32>
    %get3A_60 = vector.shape_cast %get3A_59 : vector<1x2048x1xf32> to vector<2048x1xf32>
    %get3A_61 = arith.constant 4 : index
    %get3A_62 = arith.constant 0 : index
    %get3A_63 = arith.constant 0 : index
    %get3A_64 = vector.load %arg2[%get3A_61, %get3A_62, %get3A_63] : memref<8x2048x1xf32, #tpu.memory_space<vmem>>, vector<1x2048x1xf32>
    %get3A_65 = vector.shape_cast %get3A_64 : vector<1x2048x1xf32> to vector<2048x1xf32>
    %get3A_66 = arith.constant 1 : index
    %get3A_67 = arith.constant 0 : index
    %get3A_68 = arith.constant 0 : index
    %get3A_69 = vector.load %arg3[%get3A_66, %get3A_67, %get3A_68] : memref<3x1x128xf32, #tpu.memory_space<vmem>>, vector<1x1x128xf32>
    %get3A_70 = vector.shape_cast %get3A_69 : vector<1x1x128xf32> to vector<1x128xf32>
    %mul3A_71 = vector.broadcast %get3A_60 : vector<2048x1xf32> to vector<2048x128xf32>
    %mul3A_72 = vector.broadcast %get3A_70 : vector<1x128xf32> to vector<2048x128xf32>
    %mul3A_73 = arith.mulf %mul3A_71, %mul3A_72 : vector<2048x128xf32>
    %get3A_74 = arith.constant 1 : index
    %get3A_75 = arith.constant 0 : index
    %get3A_76 = arith.constant 0 : index
    %get3A_77 = vector.load %arg4[%get3A_74, %get3A_75, %get3A_76] : memref<3x1x128xf32, #tpu.memory_space<vmem>>, vector<1x1x128xf32>
    %get3A_78 = vector.shape_cast %get3A_77 : vector<1x1x128xf32> to vector<1x128xf32>
    %mul3A_79 = vector.broadcast %get3A_65 : vector<2048x1xf32> to vector<2048x128xf32>
    %mul3A_80 = vector.broadcast %get3A_78 : vector<1x128xf32> to vector<2048x128xf32>
    %mul3A_81 = arith.mulf %mul3A_79, %mul3A_80 : vector<2048x128xf32>
    %add3A_82 = arith.addf %mul3A_73, %mul3A_81 : vector<2048x128xf32>
    %get3A_83 = arith.constant 1 : index
    %get3A_84 = arith.constant 0 : index
    %get3A_85 = arith.constant 0 : index
    %get3A_86 = vector.load %arg5[%get3A_83, %get3A_84, %get3A_85] : memref<3x1x128xf32, #tpu.memory_space<vmem>>, vector<1x1x128xf32>
    %get3A_87 = vector.shape_cast %get3A_86 : vector<1x1x128xf32> to vector<1x128xf32>
    %add3A_88 = vector.broadcast %get3A_87 : vector<1x128xf32> to vector<2048x128xf32>
    %add3A_89 = arith.addf %add3A_82, %add3A_88 : vector<2048x128xf32>
    %swap3A_90 = arith.constant 0 : index
    %swap3A_91 = arith.constant 256 : index
    %swap3A_92 = vector.load %arg10[%swap3A_90, %swap3A_91] : memref<2048x576xf32, #tpu.memory_space<vmem>>, vector<2048x128xf32>
    tpu.vector_store %arg10[%swap3A_90, %swap3A_91], %add3A_89 {strides = array<i32>} : memref<2048x576xf32, #tpu.memory_space<vmem>>, vector<2048x128xf32>,
    %get3A_93 = arith.constant 5 : index
    %get3A_94 = arith.constant 0 : index
    %get3A_95 = arith.constant 0 : index
    %get3A_96 = vector.load %arg2[%get3A_93, %get3A_94, %get3A_95] : memref<8x2048x1xf32, #tpu.memory_space<vmem>>, vector<1x2048x1xf32>
    %get3A_97 = vector.shape_cast %get3A_96 : vector<1x2048x1xf32> to vector<2048x1xf32>
    %get3A_98 = arith.constant 6 : index
    %get3A_99 = arith.constant 0 : index
    %get3A_100 = arith.constant 0 : index
    %get3A_101 = vector.load %arg2[%get3A_98, %get3A_99, %get3A_100] : memref<8x2048x1xf32, #tpu.memory_space<vmem>>, vector<1x2048x1xf32>
    %get3A_102 = vector.shape_cast %get3A_101 : vector<1x2048x1xf32> to vector<2048x1xf32>
    %get3A_103 = arith.constant 2 : index
    %get3A_104 = arith.constant 0 : index
    %get3A_105 = arith.constant 0 : index
    %get3A_106 = vector.load %arg3[%get3A_103, %get3A_104, %get3A_105] : memref<3x1x128xf32, #tpu.memory_space<vmem>>, vector<1x1x128xf32>
    %get3A_107 = vector.shape_cast %get3A_106 : vector<1x1x128xf32> to vector<1x128xf32>
    %mul3A_108 = vector.broadcast %get3A_97 : vector<2048x1xf32> to vector<2048x128xf32>
    %mul3A_109 = vector.broadcast %get3A_107 : vector<1x128xf32> to vector<2048x128xf32>
    %mul3A_110 = arith.mulf %mul3A_108, %mul3A_109 : vector<2048x128xf32>
    %get3A_111 = arith.constant 2 : index
    %get3A_112 = arith.constant 0 : index
    %get3A_113 = arith.constant 0 : index
    %get3A_114 = vector.load %arg4[%get3A_111, %get3A_112, %get3A_113] : memref<3x1x128xf32, #tpu.memory_space<vmem>>, vector<1x1x128xf32>
    %get3A_115 = vector.shape_cast %get3A_114 : vector<1x1x128xf32> to vector<1x128xf32>
    %mul3A_116 = vector.broadcast %get3A_102 : vector<2048x1xf32> to vector<2048x128xf32>
    %mul3A_117 = vector.broadcast %get3A_115 : vector<1x128xf32> to vector<2048x128xf32>
    %mul3A_118 = arith.mulf %mul3A_116, %mul3A_117 : vector<2048x128xf32>
    %add3A_119 = arith.addf %mul3A_110, %mul3A_118 : vector<2048x128xf32>
    %get3A_120 = arith.constant 2 : index
    %get3A_121 = arith.constant 0 : index
    %get3A_122 = arith.constant 0 : index
    %get3A_123 = vector.load %arg5[%get3A_120, %get3A_121, %get3A_122] : memref<3x1x128xf32, #tpu.memory_space<vmem>>, vector<1x1x128xf32>
    %get3A_124 = vector.shape_cast %get3A_123 : vector<1x1x128xf32> to vector<1x128xf32>
    %add3A_125 = vector.broadcast %get3A_124 : vector<1x128xf32> to vector<2048x128xf32>
    %add3A_126 = arith.addf %add3A_119, %add3A_125 : vector<2048x128xf32>
    %swap3A_127 = arith.constant 0 : index
    %swap3A_128 = arith.constant 384 : index
    %swap3A_129 = vector.load %arg10[%swap3A_127, %swap3A_128] : memref<2048x576xf32, #tpu.memory_space<vmem>>, vector<2048x128xf32>
    tpu.vector_store %arg10[%swap3A_127, %swap3A_128], %add3A_126 {strides = array<i32>} : memref<2048x576xf32, #tpu.memory_space<vmem>>, vector<2048x128xf32>,
    %get3A_130 = arith.constant 7 : index
    %get3A_131 = arith.constant 0 : index
    %get3A_132 = arith.constant 0 : index
    %get3A_133 = vector.load %arg2[%get3A_130, %get3A_131, %get3A_132] : memref<8x2048x1xf32, #tpu.memory_space<vmem>>, vector<1x2048x1xf32>
    %get3A_134 = vector.shape_cast %get3A_133 : vector<1x2048x1xf32> to vector<2048x1xf32>
    %get3A_135 = arith.constant 0 : index
    %get3A_136 = arith.constant 0 : index
    %get3A_137 = vector.load %arg8[%get3A_135, %get3A_136] : memref<1x64xf32, #tpu.memory_space<vmem>>, vector<1x64xf32>
    %mul3A_138 = vector.broadcast %get3A_134 : vector<2048x1xf32> to vector<2048x64xf32>
    %mul3A_139 = vector.broadcast %get3A_137 : vector<1x64xf32> to vector<2048x64xf32>
    %mul3A_140 = arith.mulf %mul3A_138, %mul3A_139 : vector<2048x64xf32>
    %get3A_141 = arith.constant 0 : index
    %get3A_142 = arith.constant 0 : index
    %get3A_143 = vector.load %arg9[%get3A_141, %get3A_142] : memref<1x64xf32, #tpu.memory_space<vmem>>, vector<1x64xf32>
    %add3A_144 = vector.broadcast %get3A_143 : vector<1x64xf32> to vector<2048x64xf32>
    %add3A_145 = arith.addf %mul3A_140, %add3A_144 : vector<2048x64xf32>
    %swap3A_146 = arith.constant 0 : index
    %swap3A_147 = arith.constant 512 : index
    %swap3A_148 = vector.load %arg10[%swap3A_146, %swap3A_147] : memref<2048x576xf32, #tpu.memory_space<vmem>>, vector<2048x64xf32>
    tpu.vector_store %arg10[%swap3A_146, %swap3A_147], %add3A_145 {strides = array<i32>} : memref<2048x576xf32, #tpu.memory_space<vmem>>, vector<2048x64xf32>,
    return
  }
  func.func @transform_0(%arg0: i32) -> (i32, i32) {
    %c0_i32 = arith.constant 0 : i32
    %c0_i32_0 = arith.constant 0 : i32
    return %arg0, %c0_i32 : i32, i32
  }
  func.func @transform_1(%arg0: i32) -> (i32, i32, i32) {
    %c0_i32 = arith.constant 0 : i32
    %c0_i32_0 = arith.constant 0 : i32
    %c0_i32_1 = arith.constant 0 : i32
    return %c0_i32, %arg0, %c0_i32_0 : i32, i32, i32
  }
  func.func @transform_2(%arg0: i32) -> (i32, i32, i32) {
    %c0_i32 = arith.constant 0 : i32
    %c0_i32_0 = arith.constant 0 : i32
    %c0_i32_1 = arith.constant 0 : i32
    %c0_i32_2 = arith.constant 0 : i32
    return %c0_i32, %c0_i32_0, %c0_i32_1 : i32, i32, i32
  }
  func.func @transform_3(%arg0: i32) -> (i32, i32, i32) {
    %c0_i32 = arith.constant 0 : i32
    %c0_i32_0 = arith.constant 0 : i32
    %c0_i32_1 = arith.constant 0 : i32
    %c0_i32_2 = arith.constant 0 : i32
    return %c0_i32, %c0_i32_0, %c0_i32_1 : i32, i32, i32
  }
  func.func @transform_4(%arg0: i32) -> (i32, i32, i32) {
    %c0_i32 = arith.constant 0 : i32
    %c0_i32_0 = arith.constant 0 : i32
    %c0_i32_1 = arith.constant 0 : i32
    %c0_i32_2 = arith.constant 0 : i32
    return %c0_i32, %c0_i32_0, %c0_i32_1 : i32, i32, i32
  }
  func.func @transform_5(%arg0: i32) -> (i32, i32) {
    %c0_i32 = arith.constant 0 : i32
    %c0_i32_0 = arith.constant 0 : i32
    %c0_i32_1 = arith.constant 0 : i32
    return %c0_i32, %c0_i32_0 : i32, i32
  }
  func.func @transform_6(%arg0: i32) -> (i32, i32) {
    %c0_i32 = arith.constant 0 : i32
    %c0_i32_0 = arith.constant 0 : i32
    %c0_i32_1 = arith.constant 0 : i32
    return %c0_i32, %c0_i32_0 : i32, i32
  }
  func.func @transform_7(%arg0: i32) -> (i32, i32) {
    %c0_i32 = arith.constant 0 : i32
    %c0_i32_0 = arith.constant 0 : i32
    %c0_i32_1 = arith.constant 0 : i32
    return %c0_i32, %c0_i32_0 : i32, i32
  }
  func.func @transform_8(%arg0: i32) -> (i32, i32) {
    %c0_i32 = arith.constant 0 : i32
    %c0_i32_0 = arith.constant 0 : i32
    %c0_i32_1 = arith.constant 0 : i32
    return %c0_i32, %c0_i32_0 : i32, i32
  }
  func.func @transform_9(%arg0: i32) -> (i32, i32) {
    %c0_i32 = arith.constant 0 : i32
    %c0_i32_0 = arith.constant 0 : i32
    return %arg0, %c0_i32 : i32, i32
  }
}

module attributes {stable_mosaic.version = 14 : i64} {
  func.func @kn_body(%arg0: i32, %arg1: memref<2048x128xf32, #tpu.memory_space<vmem>>, %arg2: memref<2048x128xf32, #tpu.memory_space<vmem>>, %arg3: memref<4x2048x2xf32, #tpu.memory_space<vmem>>, %arg4: memref<4x1x128xf32, #tpu.memory_space<vmem>>, %arg5: memref<4x1x128xf32, #tpu.memory_space<vmem>>, %arg6: memref<4x1x128xf32, #tpu.memory_space<vmem>>, %arg7: memref<2048x640xf32, #tpu.memory_space<vmem>>) attributes {dimension_semantics = [#tpu.dimension_semantics<arbitrary>], iteration_bounds = array<i64: 400>, scalar_prefetch = 0 : i64, scratch_operands = 0 : i64, tpu.core_type = #tpu.core_type<tc>, window_params = [{transform_indices = @transform_0, window_bounds = array<i64: 2048, 128>}, {transform_indices = @transform_1, window_bounds = array<i64: 2048, 128>}, {transform_indices = @transform_2, window_bounds = array<i64: 4, 2048, 2>}, {pipeline_mode = #tpu.pipeline_mode<synchronous>, transform_indices = @transform_3, window_bounds = array<i64: 4, 1, 128>}, {pipeline_mode = #tpu.pipeline_mode<synchronous>, transform_indices = @transform_4, window_bounds = array<i64: 4, 1, 128>}, {pipeline_mode = #tpu.pipeline_mode<synchronous>, transform_indices = @transform_5, window_bounds = array<i64: 4, 1, 128>}, {transform_indices = @transform_6, window_bounds = array<i64: 2048, 640>}]} {
    %get3A = arith.constant 0 : index
    %get3A_0 = arith.constant 0 : index
    %get3A_1 = vector.load %arg1[%get3A, %get3A_0] : memref<2048x128xf32, #tpu.memory_space<vmem>>, vector<2048x128xf32>
    %get3A_2 = arith.constant 0 : index
    %get3A_3 = arith.constant 0 : index
    %get3A_4 = vector.load %arg2[%get3A_2, %get3A_3] : memref<2048x128xf32, #tpu.memory_space<vmem>>, vector<2048x128xf32>
    %add3A = arith.addf %get3A_1, %get3A_4 : vector<2048x128xf32>
    %swap3A = arith.constant 0 : index
    %swap3A_5 = arith.constant 0 : index
    %swap3A_6 = vector.load %arg7[%swap3A, %swap3A_5] : memref<2048x640xf32, #tpu.memory_space<vmem>>, vector<2048x128xf32>
    tpu.vector_store %arg7[%swap3A, %swap3A_5], %add3A {strides = array<i32>} : memref<2048x640xf32, #tpu.memory_space<vmem>>, vector<2048x128xf32>,
    %get3A_7 = arith.constant 0 : index
    %get3A_8 = arith.constant 0 : index
    %get3A_9 = arith.constant 0 : index
    %get3A_10 = vector.load %arg3[%get3A_7, %get3A_8, %get3A_9] : memref<4x2048x2xf32, #tpu.memory_space<vmem>>, vector<1x2048x2xf32>
    %get3A_11 = vector.shape_cast %get3A_10 : vector<1x2048x2xf32> to vector<2048x2xf32>
    %slice3A = vector.extract_strided_slice %get3A_11 {offsets = [0, 0], sizes = [2048, 1], strides = [1, 1]} : vector<2048x2xf32> to vector<2048x1xf32>
    %get3A_12 = arith.constant 0 : index
    %get3A_13 = arith.constant 0 : index
    %get3A_14 = arith.constant 0 : index
    %get3A_15 = vector.load %arg4[%get3A_12, %get3A_13, %get3A_14] : memref<4x1x128xf32, #tpu.memory_space<vmem>>, vector<1x1x128xf32>
    %get3A_16 = vector.shape_cast %get3A_15 : vector<1x1x128xf32> to vector<1x128xf32>
    %mul3A = vector.broadcast %slice3A : vector<2048x1xf32> to vector<2048x128xf32>
    %mul3A_17 = vector.broadcast %get3A_16 : vector<1x128xf32> to vector<2048x128xf32>
    %mul3A_18 = arith.mulf %mul3A, %mul3A_17 : vector<2048x128xf32>
    %slice3A_19 = vector.extract_strided_slice %get3A_11 {offsets = [0, 1], sizes = [2048, 1], strides = [1, 1]} : vector<2048x2xf32> to vector<2048x1xf32>
    %get3A_20 = arith.constant 0 : index
    %get3A_21 = arith.constant 0 : index
    %get3A_22 = arith.constant 0 : index
    %get3A_23 = vector.load %arg5[%get3A_20, %get3A_21, %get3A_22] : memref<4x1x128xf32, #tpu.memory_space<vmem>>, vector<1x1x128xf32>
    %get3A_24 = vector.shape_cast %get3A_23 : vector<1x1x128xf32> to vector<1x128xf32>
    %mul3A_25 = vector.broadcast %slice3A_19 : vector<2048x1xf32> to vector<2048x128xf32>
    %mul3A_26 = vector.broadcast %get3A_24 : vector<1x128xf32> to vector<2048x128xf32>
    %mul3A_27 = arith.mulf %mul3A_25, %mul3A_26 : vector<2048x128xf32>
    %add3A_28 = arith.addf %mul3A_18, %mul3A_27 : vector<2048x128xf32>
    %get3A_29 = arith.constant 0 : index
    %get3A_30 = arith.constant 0 : index
    %get3A_31 = arith.constant 0 : index
    %get3A_32 = vector.load %arg6[%get3A_29, %get3A_30, %get3A_31] : memref<4x1x128xf32, #tpu.memory_space<vmem>>, vector<1x1x128xf32>
    %get3A_33 = vector.shape_cast %get3A_32 : vector<1x1x128xf32> to vector<1x128xf32>
    %add3A_34 = vector.broadcast %get3A_33 : vector<1x128xf32> to vector<2048x128xf32>
    %add3A_35 = arith.addf %add3A_28, %add3A_34 : vector<2048x128xf32>
    %swap3A_36 = arith.constant 0 : index
    %swap3A_37 = arith.constant 128 : index
    %swap3A_38 = vector.load %arg7[%swap3A_36, %swap3A_37] : memref<2048x640xf32, #tpu.memory_space<vmem>>, vector<2048x128xf32>
    tpu.vector_store %arg7[%swap3A_36, %swap3A_37], %add3A_35 {strides = array<i32>} : memref<2048x640xf32, #tpu.memory_space<vmem>>, vector<2048x128xf32>,
    %get3A_39 = arith.constant 1 : index
    %get3A_40 = arith.constant 0 : index
    %get3A_41 = arith.constant 0 : index
    %get3A_42 = vector.load %arg3[%get3A_39, %get3A_40, %get3A_41] : memref<4x2048x2xf32, #tpu.memory_space<vmem>>, vector<1x2048x2xf32>
    %get3A_43 = vector.shape_cast %get3A_42 : vector<1x2048x2xf32> to vector<2048x2xf32>
    %slice3A_44 = vector.extract_strided_slice %get3A_43 {offsets = [0, 0], sizes = [2048, 1], strides = [1, 1]} : vector<2048x2xf32> to vector<2048x1xf32>
    %get3A_45 = arith.constant 1 : index
    %get3A_46 = arith.constant 0 : index
    %get3A_47 = arith.constant 0 : index
    %get3A_48 = vector.load %arg4[%get3A_45, %get3A_46, %get3A_47] : memref<4x1x128xf32, #tpu.memory_space<vmem>>, vector<1x1x128xf32>
    %get3A_49 = vector.shape_cast %get3A_48 : vector<1x1x128xf32> to vector<1x128xf32>
    %mul3A_50 = vector.broadcast %slice3A_44 : vector<2048x1xf32> to vector<2048x128xf32>
    %mul3A_51 = vector.broadcast %get3A_49 : vector<1x128xf32> to vector<2048x128xf32>
    %mul3A_52 = arith.mulf %mul3A_50, %mul3A_51 : vector<2048x128xf32>
    %slice3A_53 = vector.extract_strided_slice %get3A_43 {offsets = [0, 1], sizes = [2048, 1], strides = [1, 1]} : vector<2048x2xf32> to vector<2048x1xf32>
    %get3A_54 = arith.constant 1 : index
    %get3A_55 = arith.constant 0 : index
    %get3A_56 = arith.constant 0 : index
    %get3A_57 = vector.load %arg5[%get3A_54, %get3A_55, %get3A_56] : memref<4x1x128xf32, #tpu.memory_space<vmem>>, vector<1x1x128xf32>
    %get3A_58 = vector.shape_cast %get3A_57 : vector<1x1x128xf32> to vector<1x128xf32>
    %mul3A_59 = vector.broadcast %slice3A_53 : vector<2048x1xf32> to vector<2048x128xf32>
    %mul3A_60 = vector.broadcast %get3A_58 : vector<1x128xf32> to vector<2048x128xf32>
    %mul3A_61 = arith.mulf %mul3A_59, %mul3A_60 : vector<2048x128xf32>
    %add3A_62 = arith.addf %mul3A_52, %mul3A_61 : vector<2048x128xf32>
    %get3A_63 = arith.constant 1 : index
    %get3A_64 = arith.constant 0 : index
    %get3A_65 = arith.constant 0 : index
    %get3A_66 = vector.load %arg6[%get3A_63, %get3A_64, %get3A_65] : memref<4x1x128xf32, #tpu.memory_space<vmem>>, vector<1x1x128xf32>
    %get3A_67 = vector.shape_cast %get3A_66 : vector<1x1x128xf32> to vector<1x128xf32>
    %add3A_68 = vector.broadcast %get3A_67 : vector<1x128xf32> to vector<2048x128xf32>
    %add3A_69 = arith.addf %add3A_62, %add3A_68 : vector<2048x128xf32>
    %swap3A_70 = arith.constant 0 : index
    %swap3A_71 = arith.constant 256 : index
    %swap3A_72 = vector.load %arg7[%swap3A_70, %swap3A_71] : memref<2048x640xf32, #tpu.memory_space<vmem>>, vector<2048x128xf32>
    tpu.vector_store %arg7[%swap3A_70, %swap3A_71], %add3A_69 {strides = array<i32>} : memref<2048x640xf32, #tpu.memory_space<vmem>>, vector<2048x128xf32>,
    %get3A_73 = arith.constant 2 : index
    %get3A_74 = arith.constant 0 : index
    %get3A_75 = arith.constant 0 : index
    %get3A_76 = vector.load %arg3[%get3A_73, %get3A_74, %get3A_75] : memref<4x2048x2xf32, #tpu.memory_space<vmem>>, vector<1x2048x2xf32>
    %get3A_77 = vector.shape_cast %get3A_76 : vector<1x2048x2xf32> to vector<2048x2xf32>
    %slice3A_78 = vector.extract_strided_slice %get3A_77 {offsets = [0, 0], sizes = [2048, 1], strides = [1, 1]} : vector<2048x2xf32> to vector<2048x1xf32>
    %get3A_79 = arith.constant 2 : index
    %get3A_80 = arith.constant 0 : index
    %get3A_81 = arith.constant 0 : index
    %get3A_82 = vector.load %arg4[%get3A_79, %get3A_80, %get3A_81] : memref<4x1x128xf32, #tpu.memory_space<vmem>>, vector<1x1x128xf32>
    %get3A_83 = vector.shape_cast %get3A_82 : vector<1x1x128xf32> to vector<1x128xf32>
    %mul3A_84 = vector.broadcast %slice3A_78 : vector<2048x1xf32> to vector<2048x128xf32>
    %mul3A_85 = vector.broadcast %get3A_83 : vector<1x128xf32> to vector<2048x128xf32>
    %mul3A_86 = arith.mulf %mul3A_84, %mul3A_85 : vector<2048x128xf32>
    %slice3A_87 = vector.extract_strided_slice %get3A_77 {offsets = [0, 1], sizes = [2048, 1], strides = [1, 1]} : vector<2048x2xf32> to vector<2048x1xf32>
    %get3A_88 = arith.constant 2 : index
    %get3A_89 = arith.constant 0 : index
    %get3A_90 = arith.constant 0 : index
    %get3A_91 = vector.load %arg5[%get3A_88, %get3A_89, %get3A_90] : memref<4x1x128xf32, #tpu.memory_space<vmem>>, vector<1x1x128xf32>
    %get3A_92 = vector.shape_cast %get3A_91 : vector<1x1x128xf32> to vector<1x128xf32>
    %mul3A_93 = vector.broadcast %slice3A_87 : vector<2048x1xf32> to vector<2048x128xf32>
    %mul3A_94 = vector.broadcast %get3A_92 : vector<1x128xf32> to vector<2048x128xf32>
    %mul3A_95 = arith.mulf %mul3A_93, %mul3A_94 : vector<2048x128xf32>
    %add3A_96 = arith.addf %mul3A_86, %mul3A_95 : vector<2048x128xf32>
    %get3A_97 = arith.constant 2 : index
    %get3A_98 = arith.constant 0 : index
    %get3A_99 = arith.constant 0 : index
    %get3A_100 = vector.load %arg6[%get3A_97, %get3A_98, %get3A_99] : memref<4x1x128xf32, #tpu.memory_space<vmem>>, vector<1x1x128xf32>
    %get3A_101 = vector.shape_cast %get3A_100 : vector<1x1x128xf32> to vector<1x128xf32>
    %add3A_102 = vector.broadcast %get3A_101 : vector<1x128xf32> to vector<2048x128xf32>
    %add3A_103 = arith.addf %add3A_96, %add3A_102 : vector<2048x128xf32>
    %swap3A_104 = arith.constant 0 : index
    %swap3A_105 = arith.constant 384 : index
    %swap3A_106 = vector.load %arg7[%swap3A_104, %swap3A_105] : memref<2048x640xf32, #tpu.memory_space<vmem>>, vector<2048x128xf32>
    tpu.vector_store %arg7[%swap3A_104, %swap3A_105], %add3A_103 {strides = array<i32>} : memref<2048x640xf32, #tpu.memory_space<vmem>>, vector<2048x128xf32>,
    %get3A_107 = arith.constant 3 : index
    %get3A_108 = arith.constant 0 : index
    %get3A_109 = arith.constant 0 : index
    %get3A_110 = vector.load %arg3[%get3A_107, %get3A_108, %get3A_109] : memref<4x2048x2xf32, #tpu.memory_space<vmem>>, vector<1x2048x2xf32>
    %get3A_111 = vector.shape_cast %get3A_110 : vector<1x2048x2xf32> to vector<2048x2xf32>
    %slice3A_112 = vector.extract_strided_slice %get3A_111 {offsets = [0, 0], sizes = [2048, 1], strides = [1, 1]} : vector<2048x2xf32> to vector<2048x1xf32>
    %get3A_113 = arith.constant 3 : index
    %get3A_114 = arith.constant 0 : index
    %get3A_115 = arith.constant 0 : index
    %get3A_116 = vector.load %arg4[%get3A_113, %get3A_114, %get3A_115] : memref<4x1x128xf32, #tpu.memory_space<vmem>>, vector<1x1x128xf32>
    %get3A_117 = vector.shape_cast %get3A_116 : vector<1x1x128xf32> to vector<1x128xf32>
    %mul3A_118 = vector.broadcast %slice3A_112 : vector<2048x1xf32> to vector<2048x128xf32>
    %mul3A_119 = vector.broadcast %get3A_117 : vector<1x128xf32> to vector<2048x128xf32>
    %mul3A_120 = arith.mulf %mul3A_118, %mul3A_119 : vector<2048x128xf32>
    %slice3A_121 = vector.extract_strided_slice %get3A_111 {offsets = [0, 1], sizes = [2048, 1], strides = [1, 1]} : vector<2048x2xf32> to vector<2048x1xf32>
    %get3A_122 = arith.constant 3 : index
    %get3A_123 = arith.constant 0 : index
    %get3A_124 = arith.constant 0 : index
    %get3A_125 = vector.load %arg5[%get3A_122, %get3A_123, %get3A_124] : memref<4x1x128xf32, #tpu.memory_space<vmem>>, vector<1x1x128xf32>
    %get3A_126 = vector.shape_cast %get3A_125 : vector<1x1x128xf32> to vector<1x128xf32>
    %mul3A_127 = vector.broadcast %slice3A_121 : vector<2048x1xf32> to vector<2048x128xf32>
    %mul3A_128 = vector.broadcast %get3A_126 : vector<1x128xf32> to vector<2048x128xf32>
    %mul3A_129 = arith.mulf %mul3A_127, %mul3A_128 : vector<2048x128xf32>
    %add3A_130 = arith.addf %mul3A_120, %mul3A_129 : vector<2048x128xf32>
    %get3A_131 = arith.constant 3 : index
    %get3A_132 = arith.constant 0 : index
    %get3A_133 = arith.constant 0 : index
    %get3A_134 = vector.load %arg6[%get3A_131, %get3A_132, %get3A_133] : memref<4x1x128xf32, #tpu.memory_space<vmem>>, vector<1x1x128xf32>
    %get3A_135 = vector.shape_cast %get3A_134 : vector<1x1x128xf32> to vector<1x128xf32>
    %add3A_136 = vector.broadcast %get3A_135 : vector<1x128xf32> to vector<2048x128xf32>
    %add3A_137 = arith.addf %add3A_130, %add3A_136 : vector<2048x128xf32>
    %swap3A_138 = arith.constant 0 : index
    %swap3A_139 = arith.constant 512 : index
    %swap3A_140 = vector.load %arg7[%swap3A_138, %swap3A_139] : memref<2048x640xf32, #tpu.memory_space<vmem>>, vector<2048x128xf32>
    tpu.vector_store %arg7[%swap3A_138, %swap3A_139], %add3A_137 {strides = array<i32>} : memref<2048x640xf32, #tpu.memory_space<vmem>>, vector<2048x128xf32>,
    return
  }
  func.func @transform_0(%arg0: i32) -> (i32, i32) {
    %c0_i32 = arith.constant 0 : i32
    %c0_i32_0 = arith.constant 0 : i32
    return %arg0, %c0_i32 : i32, i32
  }
  func.func @transform_1(%arg0: i32) -> (i32, i32) {
    %c0_i32 = arith.constant 0 : i32
    %c0_i32_0 = arith.constant 0 : i32
    return %arg0, %c0_i32 : i32, i32
  }
  func.func @transform_2(%arg0: i32) -> (i32, i32, i32) {
    %c0_i32 = arith.constant 0 : i32
    %c0_i32_0 = arith.constant 0 : i32
    %c0_i32_1 = arith.constant 0 : i32
    return %c0_i32, %arg0, %c0_i32_0 : i32, i32, i32
  }
  func.func @transform_3(%arg0: i32) -> (i32, i32, i32) {
    %c0_i32 = arith.constant 0 : i32
    %c0_i32_0 = arith.constant 0 : i32
    %c0_i32_1 = arith.constant 0 : i32
    %c0_i32_2 = arith.constant 0 : i32
    return %c0_i32, %c0_i32_0, %c0_i32_1 : i32, i32, i32
  }
  func.func @transform_4(%arg0: i32) -> (i32, i32, i32) {
    %c0_i32 = arith.constant 0 : i32
    %c0_i32_0 = arith.constant 0 : i32
    %c0_i32_1 = arith.constant 0 : i32
    %c0_i32_2 = arith.constant 0 : i32
    return %c0_i32, %c0_i32_0, %c0_i32_1 : i32, i32, i32
  }
  func.func @transform_5(%arg0: i32) -> (i32, i32, i32) {
    %c0_i32 = arith.constant 0 : i32
    %c0_i32_0 = arith.constant 0 : i32
    %c0_i32_1 = arith.constant 0 : i32
    %c0_i32_2 = arith.constant 0 : i32
    return %c0_i32, %c0_i32_0, %c0_i32_1 : i32, i32, i32
  }
  func.func @transform_6(%arg0: i32) -> (i32, i32) {
    %c0_i32 = arith.constant 0 : i32
    %c0_i32_0 = arith.constant 0 : i32
    return %arg0, %c0_i32 : i32, i32
  }
}

module attributes {stable_mosaic.version = 14 : i64} {
  func.func @s_body(%arg0: i32, %arg1: memref<1024x256xf32, #tpu.memory_space<vmem>>, %arg2: memref<1024x128xf32, #tpu.memory_space<vmem>>, %arg3: memref<4x1024x1xf32, #tpu.memory_space<vmem>>, %arg4: memref<1x1x128xf32, #tpu.memory_space<vmem>>, %arg5: memref<1x1x128xf32, #tpu.memory_space<vmem>>, %arg6: memref<1x1x128xf32, #tpu.memory_space<vmem>>, %arg7: memref<1x128xf32, #tpu.memory_space<vmem>>, %arg8: memref<1x128xf32, #tpu.memory_space<vmem>>, %arg9: memref<1x64xf32, #tpu.memory_space<vmem>>, %arg10: memref<1x64xf32, #tpu.memory_space<vmem>>, %arg11: memref<1024x448xf32, #tpu.memory_space<vmem>>) attributes {dimension_semantics = [#tpu.dimension_semantics<arbitrary>], iteration_bounds = array<i64: 4>, scalar_prefetch = 0 : i64, scratch_operands = 0 : i64, tpu.core_type = #tpu.core_type<tc>, window_params = [{transform_indices = @transform_0, window_bounds = array<i64: 1024, 256>}, {transform_indices = @transform_1, window_bounds = array<i64: 1024, 128>}, {transform_indices = @transform_2, window_bounds = array<i64: 4, 1024, 1>}, {pipeline_mode = #tpu.pipeline_mode<synchronous>, transform_indices = @transform_3, window_bounds = array<i64: 1, 1, 128>}, {pipeline_mode = #tpu.pipeline_mode<synchronous>, transform_indices = @transform_4, window_bounds = array<i64: 1, 1, 128>}, {pipeline_mode = #tpu.pipeline_mode<synchronous>, transform_indices = @transform_5, window_bounds = array<i64: 1, 1, 128>}, {pipeline_mode = #tpu.pipeline_mode<synchronous>, transform_indices = @transform_6, window_bounds = array<i64: 1, 128>}, {pipeline_mode = #tpu.pipeline_mode<synchronous>, transform_indices = @transform_7, window_bounds = array<i64: 1, 128>}, {pipeline_mode = #tpu.pipeline_mode<synchronous>, transform_indices = @transform_8, window_bounds = array<i64: 1, 64>}, {pipeline_mode = #tpu.pipeline_mode<synchronous>, transform_indices = @transform_9, window_bounds = array<i64: 1, 64>}, {transform_indices = @transform_10, window_bounds = array<i64: 1024, 448>}]} {
    %get3A = arith.constant 0 : index
    %get3A_0 = arith.constant 0 : index
    %get3A_1 = vector.load %arg1[%get3A, %get3A_0] : memref<1024x256xf32, #tpu.memory_space<vmem>>, vector<1024x128xf32>
    %get3A_2 = arith.constant 0 : index
    %get3A_3 = arith.constant 0 : index
    %get3A_4 = vector.load %arg2[%get3A_2, %get3A_3] : memref<1024x128xf32, #tpu.memory_space<vmem>>, vector<1024x128xf32>
    %add3A = arith.addf %get3A_1, %get3A_4 : vector<1024x128xf32>
    %swap3A = arith.constant 0 : index
    %swap3A_5 = arith.constant 0 : index
    %swap3A_6 = vector.load %arg11[%swap3A, %swap3A_5] : memref<1024x448xf32, #tpu.memory_space<vmem>>, vector<1024x128xf32>
    tpu.vector_store %arg11[%swap3A, %swap3A_5], %add3A {strides = array<i32>} : memref<1024x448xf32, #tpu.memory_space<vmem>>, vector<1024x128xf32>,
    %get3A_7 = arith.constant 0 : index
    %get3A_8 = arith.constant 128 : index
    %get3A_9 = vector.load %arg1[%get3A_7, %get3A_8] : memref<1024x256xf32, #tpu.memory_space<vmem>>, vector<1024x128xf32>
    %get3A_10 = arith.constant 0 : index
    %get3A_11 = arith.constant 0 : index
    %get3A_12 = arith.constant 0 : index
    %get3A_13 = vector.load %arg3[%get3A_10, %get3A_11, %get3A_12] : memref<4x1024x1xf32, #tpu.memory_space<vmem>>, vector<1x1024x1xf32>
    %get3A_14 = vector.shape_cast %get3A_13 : vector<1x1024x1xf32> to vector<1024x1xf32>
    %get3A_15 = arith.constant 0 : index
    %get3A_16 = arith.constant 0 : index
    %get3A_17 = vector.load %arg7[%get3A_15, %get3A_16] : memref<1x128xf32, #tpu.memory_space<vmem>>, vector<1x128xf32>
    %mul3A = vector.broadcast %get3A_14 : vector<1024x1xf32> to vector<1024x128xf32>
    %mul3A_18 = vector.broadcast %get3A_17 : vector<1x128xf32> to vector<1024x128xf32>
    %mul3A_19 = arith.mulf %mul3A, %mul3A_18 : vector<1024x128xf32>
    %add3A_20 = arith.addf %get3A_9, %mul3A_19 : vector<1024x128xf32>
    %get3A_21 = arith.constant 0 : index
    %get3A_22 = arith.constant 0 : index
    %get3A_23 = vector.load %arg8[%get3A_21, %get3A_22] : memref<1x128xf32, #tpu.memory_space<vmem>>, vector<1x128xf32>
    %add3A_24 = vector.broadcast %get3A_23 : vector<1x128xf32> to vector<1024x128xf32>
    %add3A_25 = arith.addf %add3A_20, %add3A_24 : vector<1024x128xf32>
    %swap3A_26 = arith.constant 0 : index
    %swap3A_27 = arith.constant 128 : index
    %swap3A_28 = vector.load %arg11[%swap3A_26, %swap3A_27] : memref<1024x448xf32, #tpu.memory_space<vmem>>, vector<1024x128xf32>
    tpu.vector_store %arg11[%swap3A_26, %swap3A_27], %add3A_25 {strides = array<i32>} : memref<1024x448xf32, #tpu.memory_space<vmem>>, vector<1024x128xf32>,
    %get3A_29 = arith.constant 1 : index
    %get3A_30 = arith.constant 0 : index
    %get3A_31 = arith.constant 0 : index
    %get3A_32 = vector.load %arg3[%get3A_29, %get3A_30, %get3A_31] : memref<4x1024x1xf32, #tpu.memory_space<vmem>>, vector<1x1024x1xf32>
    %get3A_33 = vector.shape_cast %get3A_32 : vector<1x1024x1xf32> to vector<1024x1xf32>
    %get3A_34 = arith.constant 0 : index
    %get3A_35 = arith.constant 0 : index
    %get3A_36 = arith.constant 0 : index
    %get3A_37 = vector.load %arg4[%get3A_34, %get3A_35, %get3A_36] : memref<1x1x128xf32, #tpu.memory_space<vmem>>, vector<1x1x128xf32>
    %get3A_38 = vector.shape_cast %get3A_37 : vector<1x1x128xf32> to vector<1x128xf32>
    %mul3A_39 = vector.broadcast %get3A_33 : vector<1024x1xf32> to vector<1024x128xf32>
    %mul3A_40 = vector.broadcast %get3A_38 : vector<1x128xf32> to vector<1024x128xf32>
    %mul3A_41 = arith.mulf %mul3A_39, %mul3A_40 : vector<1024x128xf32>
    %get3A_42 = arith.constant 2 : index
    %get3A_43 = arith.constant 0 : index
    %get3A_44 = arith.constant 0 : index
    %get3A_45 = vector.load %arg3[%get3A_42, %get3A_43, %get3A_44] : memref<4x1024x1xf32, #tpu.memory_space<vmem>>, vector<1x1024x1xf32>
    %get3A_46 = vector.shape_cast %get3A_45 : vector<1x1024x1xf32> to vector<1024x1xf32>
    %get3A_47 = arith.constant 0 : index
    %get3A_48 = arith.constant 0 : index
    %get3A_49 = arith.constant 0 : index
    %get3A_50 = vector.load %arg5[%get3A_47, %get3A_48, %get3A_49] : memref<1x1x128xf32, #tpu.memory_space<vmem>>, vector<1x1x128xf32>
    %get3A_51 = vector.shape_cast %get3A_50 : vector<1x1x128xf32> to vector<1x128xf32>
    %mul3A_52 = vector.broadcast %get3A_46 : vector<1024x1xf32> to vector<1024x128xf32>
    %mul3A_53 = vector.broadcast %get3A_51 : vector<1x128xf32> to vector<1024x128xf32>
    %mul3A_54 = arith.mulf %mul3A_52, %mul3A_53 : vector<1024x128xf32>
    %add3A_55 = arith.addf %mul3A_41, %mul3A_54 : vector<1024x128xf32>
    %get3A_56 = arith.constant 0 : index
    %get3A_57 = arith.constant 0 : index
    %get3A_58 = arith.constant 0 : index
    %get3A_59 = vector.load %arg6[%get3A_56, %get3A_57, %get3A_58] : memref<1x1x128xf32, #tpu.memory_space<vmem>>, vector<1x1x128xf32>
    %get3A_60 = vector.shape_cast %get3A_59 : vector<1x1x128xf32> to vector<1x128xf32>
    %add3A_61 = vector.broadcast %get3A_60 : vector<1x128xf32> to vector<1024x128xf32>
    %add3A_62 = arith.addf %add3A_55, %add3A_61 : vector<1024x128xf32>
    %swap3A_63 = arith.constant 0 : index
    %swap3A_64 = arith.constant 256 : index
    %swap3A_65 = vector.load %arg11[%swap3A_63, %swap3A_64] : memref<1024x448xf32, #tpu.memory_space<vmem>>, vector<1024x128xf32>
    tpu.vector_store %arg11[%swap3A_63, %swap3A_64], %add3A_62 {strides = array<i32>} : memref<1024x448xf32, #tpu.memory_space<vmem>>, vector<1024x128xf32>,
    %get3A_66 = arith.constant 3 : index
    %get3A_67 = arith.constant 0 : index
    %get3A_68 = arith.constant 0 : index
    %get3A_69 = vector.load %arg3[%get3A_66, %get3A_67, %get3A_68] : memref<4x1024x1xf32, #tpu.memory_space<vmem>>, vector<1x1024x1xf32>
    %get3A_70 = vector.shape_cast %get3A_69 : vector<1x1024x1xf32> to vector<1024x1xf32>
    %get3A_71 = arith.constant 0 : index
    %get3A_72 = arith.constant 0 : index
    %get3A_73 = vector.load %arg9[%get3A_71, %get3A_72] : memref<1x64xf32, #tpu.memory_space<vmem>>, vector<1x64xf32>
    %mul3A_74 = vector.broadcast %get3A_70 : vector<1024x1xf32> to vector<1024x64xf32>
    %mul3A_75 = vector.broadcast %get3A_73 : vector<1x64xf32> to vector<1024x64xf32>
    %mul3A_76 = arith.mulf %mul3A_74, %mul3A_75 : vector<1024x64xf32>
    %get3A_77 = arith.constant 0 : index
    %get3A_78 = arith.constant 0 : index
    %get3A_79 = vector.load %arg10[%get3A_77, %get3A_78] : memref<1x64xf32, #tpu.memory_space<vmem>>, vector<1x64xf32>
    %add3A_80 = vector.broadcast %get3A_79 : vector<1x64xf32> to vector<1024x64xf32>
    %add3A_81 = arith.addf %mul3A_76, %add3A_80 : vector<1024x64xf32>
    %swap3A_82 = arith.constant 0 : index
    %swap3A_83 = arith.constant 384 : index
    %swap3A_84 = vector.load %arg11[%swap3A_82, %swap3A_83] : memref<1024x448xf32, #tpu.memory_space<vmem>>, vector<1024x64xf32>
    tpu.vector_store %arg11[%swap3A_82, %swap3A_83], %add3A_81 {strides = array<i32>} : memref<1024x448xf32, #tpu.memory_space<vmem>>, vector<1024x64xf32>,
    return
  }
  func.func @transform_0(%arg0: i32) -> (i32, i32) {
    %c0_i32 = arith.constant 0 : i32
    %c0_i32_0 = arith.constant 0 : i32
    return %arg0, %c0_i32 : i32, i32
  }
  func.func @transform_1(%arg0: i32) -> (i32, i32) {
    %c0_i32 = arith.constant 0 : i32
    %c0_i32_0 = arith.constant 0 : i32
    return %arg0, %c0_i32 : i32, i32
  }
  func.func @transform_2(%arg0: i32) -> (i32, i32, i32) {
    %c0_i32 = arith.constant 0 : i32
    %c0_i32_0 = arith.constant 0 : i32
    %c0_i32_1 = arith.constant 0 : i32
    return %c0_i32, %arg0, %c0_i32_0 : i32, i32, i32
  }
  func.func @transform_3(%arg0: i32) -> (i32, i32, i32) {
    %c0_i32 = arith.constant 0 : i32
    %c0_i32_0 = arith.constant 0 : i32
    %c0_i32_1 = arith.constant 0 : i32
    %c0_i32_2 = arith.constant 0 : i32
    return %c0_i32, %c0_i32_0, %c0_i32_1 : i32, i32, i32
  }
  func.func @transform_4(%arg0: i32) -> (i32, i32, i32) {
    %c0_i32 = arith.constant 0 : i32
    %c0_i32_0 = arith.constant 0 : i32
    %c0_i32_1 = arith.constant 0 : i32
    %c0_i32_2 = arith.constant 0 : i32
    return %c0_i32, %c0_i32_0, %c0_i32_1 : i32, i32, i32
  }
  func.func @transform_5(%arg0: i32) -> (i32, i32, i32) {
    %c0_i32 = arith.constant 0 : i32
    %c0_i32_0 = arith.constant 0 : i32
    %c0_i32_1 = arith.constant 0 : i32
    %c0_i32_2 = arith.constant 0 : i32
    return %c0_i32, %c0_i32_0, %c0_i32_1 : i32, i32, i32
  }
  func.func @transform_6(%arg0: i32) -> (i32, i32) {
    %c0_i32 = arith.constant 0 : i32
    %c0_i32_0 = arith.constant 0 : i32
    %c0_i32_1 = arith.constant 0 : i32
    return %c0_i32, %c0_i32_0 : i32, i32
  }
  func.func @transform_7(%arg0: i32) -> (i32, i32) {
    %c0_i32 = arith.constant 0 : i32
    %c0_i32_0 = arith.constant 0 : i32
    %c0_i32_1 = arith.constant 0 : i32
    return %c0_i32, %c0_i32_0 : i32, i32
  }
  func.func @transform_8(%arg0: i32) -> (i32, i32) {
    %c0_i32 = arith.constant 0 : i32
    %c0_i32_0 = arith.constant 0 : i32
    %c0_i32_1 = arith.constant 0 : i32
    return %c0_i32, %c0_i32_0 : i32, i32
  }
  func.func @transform_9(%arg0: i32) -> (i32, i32) {
    %c0_i32 = arith.constant 0 : i32
    %c0_i32_0 = arith.constant 0 : i32
    %c0_i32_1 = arith.constant 0 : i32
    return %c0_i32, %c0_i32_0 : i32, i32
  }
  func.func @transform_10(%arg0: i32) -> (i32, i32) {
    %c0_i32 = arith.constant 0 : i32
    %c0_i32_0 = arith.constant 0 : i32
    return %arg0, %c0_i32 : i32, i32
  }
}

</mosaic_0001>

<sc_bundles>
// kernel: kernel.11.cloned.1.call-start
scs
__scs_entry_jumppad:
0x0: {  	(pc) =	sbr.rel $0x88, $3  }
0x1: {  	(tag) =	ssettag $0x0;
	lr =	simm.s32 $0x1  }
0x2: {  	[smem:$0x3F8C] =	sst lr;
	_ =	strace $0xD0000000  }
0x3: {  	_ = 	snop  }
0x4: {  	_ = 	snop  }
0x5: {  	_ = 	snop  }
0x6: {  	_ = 	snop  }
0x7: {  	_ = 	snop  }
__scs_overlays_trampoline_lowered:
0x8: {  	[smem:$0x3F9B] =	sst s0  }
0x9: {  	[smem:$0x3F9C] =	sst s1  }
0xa: {  	[smem:$0x3F9D] =	sst s2  }
0xb: {  	[smem:$0x3F9E] =	sst s3  }
0xc: {  	[smem:$0x3F9F] =	sst s4  }
0xd: {  	[smem:$0x3FA0] =	sst s5  }
0xe: {  	[smem:$0x3FA1] =	sst s6  }
0xf: {  	[smem:$0x3FA2] =	sst s7  }
0x10: {  	[smem:$0x3FA3] =	sst s8  }
0x11: {  	[smem:$0x3FA4] =	sst s9;
	s0 =	simm.s32 @!p0 $0x0  }
0x12: {  	s1 =	sld [smem:$0x3F8A];
	s0 =	simm.s32 @p0 $0x1  }
0x13: {  	[smem:$0x3FA5] =	sst s0;
	s0 =	simm.s32 @!p1 $0x0  }
0x14: {  	s2 =	sld [smem:$0x3F89];
	s0 =	simm.s32 @p1 $0x1  }
0x15: {  	[smem:$0x3FA6] =	sst s0;
	s0 =	simm.s32 @!p2 $0x0  }
0x16: {  	s3 =	sld [smem:$0x3FDB];
	s0 =	simm.s32 @p2 $0x1  }
0x17: {  	s4 =	simm.s32 $0x1BF5;
	[smem:$0x3FA8] =	sst s0  }
0x18: {  	s0 =	sld [smem:$0x3F8B];
	_ =	swait.ge [sflag:s4], $0x0  }
0x19: {  	s7 =	sld [smem:$0x3F8C]  }
0x1a: {  	s8 =	sadd.s32 $0xFFFFE003, lr  }
0x1b: {  	s9 =	sadd.s32 $0xFFFFFEF7, lr;
	s5 =	simm.s32 $0xFFFFFFFF;
	p2 =	slt.u32 s8, $0xFFFFF086  }
0x1c: {  	p1 =	slt.u32 s9, $0xF7A;
	s5 =	simm.s32 @!p2 $0x0  }
0x1d: {  	s5 =	simm.s32 @p1 $0x1;
	p0 =	seq.s32 s7, s2  }
0x1e: {  	s7 =	smul.u32 @!p0 $0xF7A, s2;
	p2 =	seq.s32 @!p0 s5, $0x0  }
0x1f: {  	s9 =	smul.u32 $0xF7A, s1;
	s8 =	simm.s32 @!p0 $0x1BF5;
	p2 =	por !p2, p0  }
0x20: {  	[sflag:s8] =	ssyncset.s32 @!p0 $0xFFFFF086;
	s6 =	sadd.s32 @!p0 s3, s7;
	s7 =	simm.s32 @!p0 $0x108  }
0x21: {  	s3 =	sadd.s32 s3, s9;
	s6 =	sadd.s32 @!p0 $0x88, s6;
	s7 =	simm.s32 @p2 $0x1082  }
0x22: {  	[simem:s7], [sflag:s8] =	dma.local @!p0 [hbm:s6], $0xF7A  }
0x23: {  	s9 =	sor.u32 $0xD0000000, s2;
	s6 =	simm.s32 $0x108;
	_ =	swait.ge @!p0 [sflag:s8], $0x0  }
0x24: {  	s3 =	sadd.s32 $0x88, s3;
	s6 =	simm.s32 @!p1 $0x1082;
	[sflag:s4] =	ssyncset.s32 $0xFFFFF086  }
0x25: {  	[simem:s6], [sflag:s4] =	dma.local [hbm:s3], $0xF7A  }
0x26: {  	[smem:$0x3F8C] =	sst s1;
	(tag) =	ssettag s2;
	_ =	strace s9  }
0x27: {  	s1 =	sld [smem:$0x3F9C]  }
0x28: {  	s2 =	sld [smem:$0x3F9D]  }
0x29: {  	s4 =	sld [smem:$0x3F9F]  }
0x2a: {  	p0 =	seq.s32 s5, $0x0;
	s5 =	sld [smem:$0x3FA0]  }
0x2b: {  	s6 =	sld [smem:$0x3FA1]  }
0x2c: {  	s7 =	sld [smem:$0x3FA2]  }
0x2d: {  	s3 =	simm.s32 $0x108;
	s8 =	sld [smem:$0x3FA3]  }
0x2e: {  	s3 =	simm.s32 @!p0 $0x1082;
	s9 =	sld [smem:$0x3FA4]  }
0x2f: {  	lr =	sadd.s32 s0, s3;
	s0 =	sld [smem:$0x3F9B]  }
0x30: {  	s3 =	sld [smem:$0x3F9E]  }
0x31: {  	[smem:$0x3FA7] =	sst s10  }
0x32: {  	s10 =	sld [smem:$0x3FA5];
	_ =	sdelay $0x3  }
0x33: {  	p0 =	seq.s32 s10, $0x1;
	s10 =	sld [smem:$0x3FA7];
	_ =	sdelay $0x3  }
0x34: {  	[smem:$0x3FA7] =	sst s10  }
0x35: {  	s10 =	sld [smem:$0x3FA6];
	_ =	sdelay $0x3  }
0x36: {  	p1 =	seq.s32 s10, $0x1;
	s10 =	sld [smem:$0x3FA7];
	_ =	sdelay $0x3  }
0x37: {  	[smem:$0x3FA7] =	sst s10  }
0x38: {  	s10 =	sld [smem:$0x3FA8]  }
0x39: {  	_ = 	snop;
	(pc) =	sbr.ind lr, $3  }
0x3a: {  	_ = 	snop  }
0x3b: {  	_ = 	snop  }
0x3c: {  	p2 =	seq.s32 s10, $0x1;
	s10 =	sld [smem:$0x3FA7]  }
0x3d: {  	_ =	shalt  }
0x3e: {  	_ =	shalt  }
0x3f: {  	_ =	shalt  }
0x40: {  	_ =	shalt  }
0x41: {  	_ =	shalt  }
0x42: {  	_ =	shalt  }
0x43: {  	_ =	shalt  }
0x44: {  	_ =	shalt  }
0x45: {  	_ =	shalt  }
0x46: {  	_ =	shalt  }
0x47: {  	_ =	shalt  }
0x48: {  	_ =	shalt  }
0x49: {  	_ =	shalt  }
0x4a: {  	_ =	shalt  }
0x4b: {  	_ =	shalt  }
0x4c: {  	_ =	shalt  }
0x4d: {  	_ =	shalt  }
0x4e: {  	_ =	shalt  }
0x4f: {  	_ =	shalt  }
0x50: {  	_ =	shalt  }
0x51: {  	_ =	shalt  }
0x52: {  	_ =	shalt  }
0x53: {  	_ =	shalt  }
0x54: {  	_ =	shalt  }
0x55: {  	_ =	shalt  }
0x56: {  	_ =	shalt  }
0x57: {  	_ =	shalt  }
0x58: {  	_ =	shalt  }
0x59: {  	_ =	shalt  }
0x5a: {  	_ =	shalt  }
0x5b: {  	_ =	shalt  }
0x5c: {  	_ =	shalt  }
0x5d: {  	_ =	shalt  }
0x5e: {  	_ =	shalt  }
0x5f: {  	_ =	shalt  }
0x60: {  	_ =	shalt  }
0x61: {  	_ =	shalt  }
0x62: {  	_ =	shalt  }
0x63: {  	_ =	shalt  }
0x64: {  	_ =	shalt  }
0x65: {  	_ =	shalt  }
0x66: {  	_ =	shalt  }
0x67: {  	_ =	shalt  }
0x68: {  	_ =	shalt  }
0x69: {  	_ =	shalt  }
0x6a: {  	_ =	shalt  }
0x6b: {  	_ =	shalt  }
0x6c: {  	_ =	shalt  }
0x6d: {  	_ =	shalt  }
0x6e: {  	_ =	shalt  }
0x6f: {  	_ =	shalt  }
0x70: {  	_ =	shalt  }
0x71: {  	_ =	shalt  }
0x72: {  	_ =	shalt  }
0x73: {  	_ =	shalt  }
0x74: {  	_ =	shalt  }
0x75: {  	_ =	shalt  }
0x76: {  	_ =	shalt  }
0x77: {  	_ =	shalt  }
0x78: {  	_ =	shalt  }
0x79: {  	_ =	shalt  }
0x7a: {  	_ =	shalt  }
0x7b: {  	_ =	shalt  }
0x7c: {  	_ =	shalt  }
0x7d: {  	_ =	shalt  }
0x7e: {  	_ =	shalt  }
0x7f: {  	_ =	shalt  }
0x80: {  	_ =	shalt  }
0x81: {  	_ =	shalt  }
0x82: {  	_ =	shalt  }
0x83: {  	_ =	shalt  }
0x84: {  	_ =	shalt  }
0x85: {  	_ =	shalt  }
0x86: {  	_ =	shalt  }
0x87: {  	_ =	shalt  }
.Lfunc_end0:
.L_simem_size_0:
called_computation.4_lowered:
.L_overlay_start_0:
0x88: {  	s2 =	sld [smem:$0x3FD9]  }
0x89: {  	s3 =	sld [smem:$0x3FFE];
	_ =	sdelay $0x1  }
0x8a: {  	s1 =	srdreg.scid  }
0x8b: {  	s0 =	sand.u32 $0x1, s1  }
0x8c: {  	s16 =	sshll.u32 s0, $0xA;
	s2 =	sadd.s32 s3, s2  }
0x8d: {  	s2 =	sadd.s32 s2, s16  }
0x8e: {  	[smem:$0x3FB3] =	sst s2  }
0x8f: {  	_ = 	snop  }
0x90: {  	(tm) =	ssettm $0x1  }
0x91: {  	s17 =	sld [smem:$0x3FFB];
	_ =	sdelay $0x3  }
0x92: {  	_ =	strace s17  }
0x93: {  	s2 =	sld [smem:$0x3FFC];
	_ =	sdelay $0x3  }
0x94: {  	_ =	strace s2  }
0x95: {  	s2 =	sld [smem:$0x3FFD];
	_ =	sdelay $0x3  }
0x96: {  	_ =	strace s2  }
0x97: {  	_ =	strace $0x8FFFFFFF  }
0x98: {  	s18 =	sld [smem:$0x3FDB];
	_ =	sdelay $0x1  }
0x99: {  	s19 =	simm.s32 $_scs_section_size  }
0x9a: {  	s4 =	simm.s32 $_size__tile_overlayer_lowered;
	s5 =	simm.s32 $_tile_overlayer_lowered  }
0x9b: {  	s22 =	simm.s32 $0x1BFF;
	s21 =	sshll.u32 s5, $0x1;
	s2 =	sadd.s32 s19, s18  }
0x9c: {  	s6 =	simm.s32 $0x0;
	s20 =	sshll.u32 s4, $0x1;
	s4 =	sadd.s32 s21, s2  }
0x9d: {  	[timem:s6], [sflag:s22] =	dma.local [hbm:s4], s20  }
0x9e: {  	_ =	swait.ge [sflag:s22], s20  }
0x9f: {  	s3 =	ssub.s32 $0x0, s20;
	[sflag:s22] =	ssyncset.done $0x0  }
0xa0: {  	[sflag:s22] =	ssyncadd.s32 s3;
	_ =	sdelay $0x1  }
0xa1: {  	s23 =	simm.s32 $0x1B8B  }
0xa2: {  	_ =	swait.ge [sflag:s23], $0x1  }
0xa3: {  	[sflag:s23] =	ssyncset.done $0x0  }
0xa4: {  	s25 =	simm.s32 $0x1B8E;
	s24 =	sld [smem:$0x3FFE];
	[sflag:s23] =	ssyncadd.s32 $0xFFFFFFFF  }
0xa5: {  	s26 =	simm.s32 $execute0_lowered;
	[smem:$0x3FD2] =	sst s25  }
0xa6: {  	s4 =	sshll.u32 s26, $0x1;
	_ =	strace $0x80000046;
	[dreg:$0x1] =	wrdreg $0xFFFFFFFF  }
0xa7: {  	s28 =	simm.s32 $_size_execute0_lowered;
	s2 =	sadd.s32 s2, s4;
	[dreg:$0x0] =	wrdreg $0x0  }
0xa8: {  	s4 =	sshll.u32 s28, $0x1;
	[dreg:$0x2] =	wrdreg s2  }
0xa9: {  	[dreg:$0x3] =	wrdreg s4  }
0xaa: {  	[dreg:$0x4] =	wrdreg $0xC0  }
0xab: {  	_ =	task [dreg:s6], $0x5FFFF  }
0xac: {  	[dreg:$0x1] =	wrdreg $0xFFFFFFFF  }
0xad: {  	[dreg:$0x0] =	wrdreg $0x60  }
0xae: {  	[dreg:$0x2] =	wrdreg s24  }
0xaf: {  	[dreg:$0x3] =	wrdreg $0xA  }
0xb0: {  	_ =	task.clear_ibuf [dreg:s6], $0x4FFFF;
	_ =	strace $0x90000046  }
0xb1: {  	s29 =	simm.s32 $0xA;
	_ =	strace $0x80000048  }
0xb2: {  	_ =	swait.ge [sflag:s29], $0x1  }
0xb3: {  	[sflag:s29] =	ssyncadd.s32 $0xFFFFFFFF  }
0xb4: {  	_ =	strace $0x90000048  }
0xb5: {  	_ =	sfence  }
0xb6: {  	s30 =	sld [smem:$0x0];
	_ =	sdelay $0x2  }
0xb7: {  	s31 =	sshll.u32 s1, $0xD;
	s1 =	sshrl.u32 s1, $0x2  }
0xb8: {  	s3 =	sand.u32 $0x4000, s31;
	s1 =	sadd.s32 s1, s30  }
0xb9: {  	s0 =	sor.u32 s3, s0;
	s1 =	sshll.u32 s1, $0x11  }
0xba: {  	s0 =	sor.u32 s1, s0  }
0xbb: {  	s0 =	sadd.s32 $0x8F2B, s0  }
0xbc: {  	[sflag:s0] =	ssyncadd.remote.s32 $0x1  }
0xbd: {  	_ =	sfence.sel $0xFFFF  }
0xbe: {  	[dreg:$0x0] =	wrdreg $0xFFFFFFFF;
	(pc) =	sbr.abs _section_cstart, $3  }
0xbf: {  	[dreg:$0x1] =	wrdreg $0xFFFFFFFF  }
0xc0: {  	_ =	task.clear_ibuf [dreg:s6], $0x2FFFF;
	_ =	strace $0x9FFFFFFF  }
0xc1: {  	(tm) =	ssettm $0x7FFFFFFF  }
tec
execute0_lowered:
.L_overlay_start_1:
0x0: {  	(tag) =	ssettag $0x1  }
0x1: {  	s1 =	srdreg.scid;
	s0 =	stileid.u32  }
0x2: {  	s5 =	rddreg [dreg:$0x0];
	s3 =	sand.u32 $0x1, s1;
	s2 =	smul.u32 $0xC800, s0  }
0x3: {  	s9 =	simm.s32 $0x1;
	s10 =	simm.s32 $0x400;
	s4 =	smul.u32 $0x6400, s3  }
0x4: {  	s11 =	simm.s32 $0x1400;
	s12 =	simm.s32 $0x2;
	s13 =	simm.s32 $0x0  }
0x5: {  	s1 =	rddreg [dreg:$0x1];
	s3 =	ssub.s32 $0x2, s3;
	s4 =	sadd.s32 s4, s2  }
0x6: {  	s7 =	sshrl.u32 s3, $0x1;
	s2 =	simm.s32 $0x0;
	s4 =	sshrl.u32 s4, $0x3  }
0x7: {  	s31 =	ssub.s32 s3, s7;
	[smem:$0x7FF] =	sst s2;
	s6 =	smul.u32 $0x280, s4  }
0x8: {  	s3 =	sadd.s32 $0x20C00, s5;
	s7 =	simm.s32 $0x3;
	_ =	strace $0x80000047  }
0x9: {  	s8 =	sadd.s32 s4, s5;
	s4 =	smax.u32 s31, $0x1;
	s5 =	sadd.s32 s6, s5  }
0xa: {  	s6 =	sadd.s32 $0x7C00, s8;
	s8 =	simm.s32 $0x100;
	s5 =	sadd.s32 $0x1A7600, s5  }
.LBB2_1:
0xb: {  	s14 =	sadd.s32 $0x0, s6  }
0xc: {  	[tilespmem:s2], [sflag:$0x3] =	stream.linear.gather [hbm4b:s14+s2], $0x100, $0x38;
	[tilespmem:$0x8100] =	vst v63  }
0xd: {  	_ =	swait.ge [sflag:s7], $0x100  }
0xe: {  	[sflag:s7] =	ssyncset.done $0x0  }
0xf: {  	[sflag:s7] =	ssyncadd.s32 $0xFFFFFF00  }
0x10: {  	[tilespmem:s8], [sflag:$0x1] =	stream.indirect.gather [hbm4b:s3+s8], $0x80, s2, s8, $0xb8;
	[tilespmem:$0x8100] =	vst v63  }
0x11: {  	_ =	swait.ge [sflag:s9], $0x8000  }
0x12: {  	[sflag:s9] =	ssyncset.done $0x0  }
0x13: {  	[sflag:s9] =	ssyncadd.s32 $0xFFFF8000  }
0x14: {  	[hbm4b:s5+s10] =	stream.strided.scatter [tilespmem:s8], [sflag:$0x2], $0x8000, s11, s10, $0x38;
	[tilespmem:$0x8100] =	vst v63  }
0x15: {  	s15 =	simm.s32 $0x20;
	_ =	swait.ge [sflag:s12], $0x8000  }
0x16: {  	s16 =	simm.s32 $0x40;
	s14 =	sadd.s32 $0x5000, s5;
	[sflag:s12] =	ssyncset.done $0x0  }
.LBB2_2:
0x17: {  	s17 =	sadd.s32 s15, s6  }
0x18: {  	[sflag:s12] =	ssyncadd.s32 $0xFFFF8000;
	s15 =	smov.u32 s16;
	s18 =	sadd.s32 $0x20, s16  }
0x19: {  	[tilespmem:s2], [sflag:$0x3] =	stream.linear.gather [hbm4b:s17+s2], $0x100, $0x38;
	[tilespmem:$0x8100] =	vst v63  }
0x1a: {  	p0 =	sne.s32 s16, $0xC60;
	_ =	swait.ge [sflag:s7], $0x100  }
0x1b: {  	[sflag:s7] =	ssyncset.done $0x0  }
0x1c: {  	[sflag:s7] =	ssyncadd.s32 $0xFFFFFF00  }
0x1d: {  	[tilespmem:s8], [sflag:$0x1] =	stream.indirect.gather [hbm4b:s3+s8], $0x80, s2, s8, $0xb8;
	[tilespmem:$0x8100] =	vst v63  }
0x1e: {  	_ =	swait.ge [sflag:s9], $0x8000  }
.Ltmp0:
0x1f: {  	[sflag:s9] =	ssyncset.done $0x0;
	(pc) =	sbr.rel @p0 .LBB2_2-.Ltmp0, $4  }
0x20: {  	[sflag:s9] =	ssyncadd.s32 $0xFFFF8000  }
0x21: {  	[hbm4b:s14+s10] =	stream.strided.scatter [tilespmem:s8], [sflag:$0x2], $0x8000, s11, s10, $0x38;
	[tilespmem:$0x8100] =	vst v63  }
0x22: {  	_ =	swait.ge [sflag:s12], $0x8000  }
0x23: {  	s16 =	smov.u32 s18;
	s14 =	sadd.s32 $0x5000, s14;
	[sflag:s12] =	ssyncset.done $0x0  }
0x24: {  	s15 =	sadd.s32 s15, s6;
	[sflag:s12] =	ssyncadd.s32 $0xFFFF8000  }
0x25: {  	[tilespmem:s2], [sflag:$0x3] =	stream.linear.gather [hbm4b:s15+s2], $0x100, $0x38;
	[tilespmem:$0x8100] =	vst v63  }
0x26: {  	_ =	swait.ge [sflag:s7], $0x100  }
0x27: {  	[sflag:s7] =	ssyncset.done $0x0  }
0x28: {  	[sflag:s7] =	ssyncadd.s32 $0xFFFFFF00  }
0x29: {  	[tilespmem:s8], [sflag:$0x1] =	stream.indirect.gather [hbm4b:s3+s8], $0x80, s2, s8, $0xb8;
	[tilespmem:$0x8100] =	vst v63  }
0x2a: {  	s13 =	sadd.s32 $0x1, s13;
	_ =	swait.ge [sflag:s9], $0x8000  }
0x2b: {  	p0 =	sne.s32 s13, s4;
	[sflag:s9] =	ssyncset.done $0x0  }
.Ltmp1:
0x2c: {  	[sflag:s9] =	ssyncadd.s32 $0xFFFF8000;
	(pc) =	sbr.rel @p0 .LBB2_1-.Ltmp1, $4  }
0x2d: {  	[hbm4b:s14+s10] =	stream.strided.scatter [tilespmem:s8], [sflag:$0x2], $0x8000, s11, s10, $0x38;
	[tilespmem:$0x8100] =	vst v63  }
0x2e: {  	_ =	swait.ge [sflag:s12], $0x8000  }
0x2f: {  	[sflag:s12] =	ssyncset.done $0x0  }
0x30: {  	[sflag:s12] =	ssyncadd.s32 $0xFFFF8000  }
0x31: {  	_ =	sfence.sel $0x180000  }
0x32: {  	[bflag:$0x0] =	sbarrier.arrive $0xFFFF  }
0x33: {  	p0 =	sne.s32 s0, $0x0;
	_ =	strace $0x90000047  }
0x34: {  	s0 =	sadd.s32 @!p0 $0x100000, s1;
	[bflag:$0x2] =	sbarrier.arrive $0xFFFF  }
0x35: {  	[sflag:s0] =	ssyncadd.tile.s32 @!p0 $0x1;
	_ =	shalt  }
.Lfunc_end2:
_tile_overlayer_lowered:
.L_overlay_start_2:
0x36: {  	(tag) =	ssettag $0x2  }
0x37: {  	s0 =	rddreg [dreg:$0x0];
	s2 =	stileid.u32  }
0x38: {  	s1 =	rddreg [dreg:$0x1];
	p0 =	sne.s32 s2, $0x0  }
0x39: {  	s3 =	rddreg [dreg:$0x2];
	[bflag:$0x3] =	sbarrier.arrive $0xFFFF;
	s2 =	simm.s32 @!p0 $0x1C03  }
0x3a: {  	[timem:s3], [sflag:s2] =	dma.local @!p0 [hbm:s0], s1  }
0x3b: {  	s0 =	simm.s32 @!p0 $0x3  }
0x3c: {  	_ =	swait.ge @!p0 [sflag:s0], s1  }
0x3d: {  	s1 =	ssub.s32 @!p0 $0x0, s1;
	[sflag:s0] =	ssyncset.done @!p0 $0x0  }
0x3e: {  	[sflag:s0] =	ssyncadd.s32 @!p0 s1  }
0x3f: {  	[bflag:$0x3] =	sbarrier.arrive $0xFFFF  }
0x40: {  	_ =	shalt  }

// kernel: kernel.8.cloned.1.call-start
scs
__scs_entry_jumppad:
0x0: {  	(pc) =	sbr.rel $0x88, $3  }
0x1: {  	(tag) =	ssettag $0x0;
	lr =	simm.s32 $0x1  }
0x2: {  	[smem:$0x3F8C] =	sst lr;
	_ =	strace $0xD0000000  }
0x3: {  	_ = 	snop  }
0x4: {  	_ = 	snop  }
0x5: {  	_ = 	snop  }
0x6: {  	_ = 	snop  }
0x7: {  	_ = 	snop  }
__scs_overlays_trampoline_lowered:
0x8: {  	[smem:$0x3F9B] =	sst s0  }
0x9: {  	[smem:$0x3F9C] =	sst s1  }
0xa: {  	[smem:$0x3F9D] =	sst s2  }
0xb: {  	[smem:$0x3F9E] =	sst s3  }
0xc: {  	[smem:$0x3F9F] =	sst s4  }
0xd: {  	[smem:$0x3FA0] =	sst s5  }
0xe: {  	[smem:$0x3FA1] =	sst s6  }
0xf: {  	[smem:$0x3FA2] =	sst s7  }
0x10: {  	[smem:$0x3FA3] =	sst s8  }
0x11: {  	[smem:$0x3FA4] =	sst s9;
	s0 =	simm.s32 @!p0 $0x0  }
0x12: {  	s1 =	sld [smem:$0x3F8A];
	s0 =	simm.s32 @p0 $0x1  }
0x13: {  	[smem:$0x3FA5] =	sst s0;
	s0 =	simm.s32 @!p1 $0x0  }
0x14: {  	s2 =	sld [smem:$0x3F89];
	s0 =	simm.s32 @p1 $0x1  }
0x15: {  	[smem:$0x3FA6] =	sst s0;
	s0 =	simm.s32 @!p2 $0x0  }
0x16: {  	s3 =	sld [smem:$0x3FDB];
	s0 =	simm.s32 @p2 $0x1  }
0x17: {  	s4 =	simm.s32 $0x1BF5;
	[smem:$0x3FA8] =	sst s0  }
0x18: {  	s0 =	sld [smem:$0x3F8B];
	_ =	swait.ge [sflag:s4], $0x0  }
0x19: {  	s7 =	sld [smem:$0x3F8C]  }
0x1a: {  	s8 =	sadd.s32 $0xFFFFE003, lr  }
0x1b: {  	s9 =	sadd.s32 $0xFFFFFEF7, lr;
	s5 =	simm.s32 $0xFFFFFFFF;
	p2 =	slt.u32 s8, $0xFFFFF086  }
0x1c: {  	p1 =	slt.u32 s9, $0xF7A;
	s5 =	simm.s32 @!p2 $0x0  }
0x1d: {  	s5 =	simm.s32 @p1 $0x1;
	p0 =	seq.s32 s7, s2  }
0x1e: {  	s7 =	smul.u32 @!p0 $0xF7A, s2;
	p2 =	seq.s32 @!p0 s5, $0x0  }
0x1f: {  	s9 =	smul.u32 $0xF7A, s1;
	s8 =	simm.s32 @!p0 $0x1BF5;
	p2 =	por !p2, p0  }
0x20: {  	[sflag:s8] =	ssyncset.s32 @!p0 $0xFFFFF086;
	s6 =	sadd.s32 @!p0 s3, s7;
	s7 =	simm.s32 @!p0 $0x108  }
0x21: {  	s3 =	sadd.s32 s3, s9;
	s6 =	sadd.s32 @!p0 $0x88, s6;
	s7 =	simm.s32 @p2 $0x1082  }
0x22: {  	[simem:s7], [sflag:s8] =	dma.local @!p0 [hbm:s6], $0xF7A  }
0x23: {  	s9 =	sor.u32 $0xD0000000, s2;
	s6 =	simm.s32 $0x108;
	_ =	swait.ge @!p0 [sflag:s8], $0x0  }
0x24: {  	s3 =	sadd.s32 $0x88, s3;
	s6 =	simm.s32 @!p1 $0x1082;
	[sflag:s4] =	ssyncset.s32 $0xFFFFF086  }
0x25: {  	[simem:s6], [sflag:s4] =	dma.local [hbm:s3], $0xF7A  }
0x26: {  	[smem:$0x3F8C] =	sst s1;
	(tag) =	ssettag s2;
	_ =	strace s9  }
0x27: {  	s1 =	sld [smem:$0x3F9C]  }
0x28: {  	s2 =	sld [smem:$0x3F9D]  }
0x29: {  	s4 =	sld [smem:$0x3F9F]  }
0x2a: {  	p0 =	seq.s32 s5, $0x0;
	s5 =	sld [smem:$0x3FA0]  }
0x2b: {  	s6 =	sld [smem:$0x3FA1]  }
0x2c: {  	s7 =	sld [smem:$0x3FA2]  }
0x2d: {  	s3 =	simm.s32 $0x108;
	s8 =	sld [smem:$0x3FA3]  }
0x2e: {  	s3 =	simm.s32 @!p0 $0x1082;
	s9 =	sld [smem:$0x3FA4]  }
0x2f: {  	lr =	sadd.s32 s0, s3;
	s0 =	sld [smem:$0x3F9B]  }
0x30: {  	s3 =	sld [smem:$0x3F9E]  }
0x31: {  	[smem:$0x3FA7] =	sst s10  }
0x32: {  	s10 =	sld [smem:$0x3FA5];
	_ =	sdelay $0x3  }
0x33: {  	p0 =	seq.s32 s10, $0x1;
	s10 =	sld [smem:$0x3FA7];
	_ =	sdelay $0x3  }
0x34: {  	[smem:$0x3FA7] =	sst s10  }
0x35: {  	s10 =	sld [smem:$0x3FA6];
	_ =	sdelay $0x3  }
0x36: {  	p1 =	seq.s32 s10, $0x1;
	s10 =	sld [smem:$0x3FA7];
	_ =	sdelay $0x3  }
0x37: {  	[smem:$0x3FA7] =	sst s10  }
0x38: {  	s10 =	sld [smem:$0x3FA8]  }
0x39: {  	_ = 	snop;
	(pc) =	sbr.ind lr, $3  }
0x3a: {  	_ = 	snop  }
0x3b: {  	_ = 	snop  }
0x3c: {  	p2 =	seq.s32 s10, $0x1;
	s10 =	sld [smem:$0x3FA7]  }
0x3d: {  	_ =	shalt  }
0x3e: {  	_ =	shalt  }
0x3f: {  	_ =	shalt  }
0x40: {  	_ =	shalt  }
0x41: {  	_ =	shalt  }
0x42: {  	_ =	shalt  }
0x43: {  	_ =	shalt  }
0x44: {  	_ =	shalt  }
0x45: {  	_ =	shalt  }
0x46: {  	_ =	shalt  }
0x47: {  	_ =	shalt  }
0x48: {  	_ =	shalt  }
0x49: {  	_ =	shalt  }
0x4a: {  	_ =	shalt  }
0x4b: {  	_ =	shalt  }
0x4c: {  	_ =	shalt  }
0x4d: {  	_ =	shalt  }
0x4e: {  	_ =	shalt  }
0x4f: {  	_ =	shalt  }
0x50: {  	_ =	shalt  }
0x51: {  	_ =	shalt  }
0x52: {  	_ =	shalt  }
0x53: {  	_ =	shalt  }
0x54: {  	_ =	shalt  }
0x55: {  	_ =	shalt  }
0x56: {  	_ =	shalt  }
0x57: {  	_ =	shalt  }
0x58: {  	_ =	shalt  }
0x59: {  	_ =	shalt  }
0x5a: {  	_ =	shalt  }
0x5b: {  	_ =	shalt  }
0x5c: {  	_ =	shalt  }
0x5d: {  	_ =	shalt  }
0x5e: {  	_ =	shalt  }
0x5f: {  	_ =	shalt  }
0x60: {  	_ =	shalt  }
0x61: {  	_ =	shalt  }
0x62: {  	_ =	shalt  }
0x63: {  	_ =	shalt  }
0x64: {  	_ =	shalt  }
0x65: {  	_ =	shalt  }
0x66: {  	_ =	shalt  }
0x67: {  	_ =	shalt  }
0x68: {  	_ =	shalt  }
0x69: {  	_ =	shalt  }
0x6a: {  	_ =	shalt  }
0x6b: {  	_ =	shalt  }
0x6c: {  	_ =	shalt  }
0x6d: {  	_ =	shalt  }
0x6e: {  	_ =	shalt  }
0x6f: {  	_ =	shalt  }
0x70: {  	_ =	shalt  }
0x71: {  	_ =	shalt  }
0x72: {  	_ =	shalt  }
0x73: {  	_ =	shalt  }
0x74: {  	_ =	shalt  }
0x75: {  	_ =	shalt  }
0x76: {  	_ =	shalt  }
0x77: {  	_ =	shalt  }
0x78: {  	_ =	shalt  }
0x79: {  	_ =	shalt  }
0x7a: {  	_ =	shalt  }
0x7b: {  	_ =	shalt  }
0x7c: {  	_ =	shalt  }
0x7d: {  	_ =	shalt  }
0x7e: {  	_ =	shalt  }
0x7f: {  	_ =	shalt  }
0x80: {  	_ =	shalt  }
0x81: {  	_ =	shalt  }
0x82: {  	_ =	shalt  }
0x83: {  	_ =	shalt  }
0x84: {  	_ =	shalt  }
0x85: {  	_ =	shalt  }
0x86: {  	_ =	shalt  }
0x87: {  	_ =	shalt  }
.Lfunc_end0:
.L_simem_size_0:
called_computation.3_lowered:
.L_overlay_start_0:
0x88: {  	s2 =	sld [smem:$0x3FD9]  }
0x89: {  	s3 =	sld [smem:$0x3FFE];
	_ =	sdelay $0x1  }
0x8a: {  	s1 =	srdreg.scid  }
0x8b: {  	s0 =	sand.u32 $0x1, s1  }
0x8c: {  	s15 =	sshll.u32 s0, $0xA;
	s2 =	sadd.s32 s3, s2  }
0x8d: {  	s2 =	sadd.s32 s2, s15  }
0x8e: {  	[smem:$0x3FB3] =	sst s2  }
0x8f: {  	_ = 	snop  }
0x90: {  	s2 =	sld [smem:$0x3FD0];
	_ =	sdelay $0x2  }
0x91: {  	s16 =	simm.s32 $0xC;
	s4 =	simm.s32 $0x10  }
0x92: {  	[smem:s4], [sflag:s16] =	dma.local [hbm:s2], $0x1  }
0x93: {  	_ =	swait.eq [sflag:s16], $0x1  }
0x94: {  	[sflag:s16] =	ssyncset.done $0x0  }
0x95: {  	s17 =	sld [smem:$0x10];
	[sflag:s16] =	ssyncadd.s32 $0xFFFFFFFF  }
0x96: {  	s18 =	sld [smem:$0x11];
	(tm) =	ssettm $0x1  }
0x97: {  	s19 =	sld [smem:$0x3FFB];
	_ =	sdelay $0x3  }
0x98: {  	_ =	strace s19  }
0x99: {  	s2 =	sld [smem:$0x3FFC];
	_ =	sdelay $0x3  }
0x9a: {  	_ =	strace s2  }
0x9b: {  	s2 =	sld [smem:$0x3FFD];
	_ =	sdelay $0x3  }
0x9c: {  	_ =	strace s2  }
0x9d: {  	_ =	strace $0x8FFFFFFF  }
0x9e: {  	s20 =	sld [smem:$0x3FDB];
	_ =	sdelay $0x1  }
0x9f: {  	s5 =	simm.s32 $_scs_section_size  }
0xa0: {  	s6 =	simm.s32 $_size__tile_overlayer_lowered;
	s7 =	simm.s32 $_tile_overlayer_lowered  }
0xa1: {  	s8 =	simm.s32 $0x1BFF;
	s21 =	sshll.u32 s7, $0x1;
	s5 =	sadd.s32 s5, s20  }
0xa2: {  	s22 =	simm.s32 $0x0;
	s6 =	sshll.u32 s6, $0x1;
	s7 =	sadd.s32 s21, s5  }
0xa3: {  	[timem:s22], [sflag:s8] =	dma.local [hbm:s7], s6  }
0xa4: {  	_ =	swait.ge [sflag:s8], s6  }
0xa5: {  	s6 =	ssub.s32 $0x0, s6;
	[sflag:s8] =	ssyncset.done $0x0  }
0xa6: {  	[sflag:s8] =	ssyncadd.s32 s6;
	_ =	sdelay $0x1  }
0xa7: {  	s23 =	simm.s32 $0x1B8B  }
0xa8: {  	_ =	swait.ge [sflag:s23], $0x1  }
0xa9: {  	[sflag:s23] =	ssyncset.done $0x0  }
0xaa: {  	[sflag:s23] =	ssyncadd.s32 $0xFFFFFFFF  }
0xab: {  	s6 =	sld [smem:$0x0]  }
0xac: {  	s7 =	sand.u32 $0xFFFFFFFE, s1  }
0xad: {  	p0 =	sne.s32 s1, s7  }
0xae: {  	s7 =	sshll.u32 @p0 s7, $0xE  }
0xaf: {  	s7 =	sadd.s32 @p0 $0x11B8D, s7;
	s8 =	sshll.u32 @p0 s6, $0x11  }
0xb0: {  	s7 =	sor.u32 @p0 s8, s7  }
0xb1: {  	[sflag:s7] =	ssyncadd.remote.s32 @p0 $0x1;
	_ =	sdelay $0x1  }
0xb2: {  	s7 =	simm.s32 @p0 $0x1B8D  }
0xb3: {  	_ =	swait.eq @p0 [sflag:s7], $0x1  }
0xb4: {  	[sflag:s7] =	ssyncadd.s32 @p0 $0xFFFFFFFF  }
0xb5: {  	s8 =	sshll.u32 @!p0 s1, $0xE  }
0xb6: {  	s8 =	sor.u32 @!p0 $0x4000, s8;
	s7 =	simm.s32 @!p0 $0x1B8D  }
0xb7: {  	s6 =	sshll.u32 @!p0 s6, $0x11;
	s8 =	sadd.s32 @!p0 $0x11B8D, s8;
	_ =	swait.eq @!p0 [sflag:s7], $0x1  }
0xb8: {  	s6 =	sor.u32 @!p0 s6, s8;
	[sflag:s7] =	ssyncadd.s32 @!p0 $0xFFFFFFFF  }
0xb9: {  	s25 =	simm.s32 $0x1B8E;
	s24 =	sld [smem:$0x3FFE];
	[sflag:s6] =	ssyncadd.remote.s32 @!p0 $0x1  }
0xba: {  	s26 =	simm.s32 $execute0_lowered;
	[smem:$0x3FD2] =	sst s25  }
0xbb: {  	s7 =	sshll.u32 s26, $0x1;
	_ =	strace $0x80000049;
	[dreg:$0x1] =	wrdreg $0xFFFFFFFF  }
0xbc: {  	s28 =	simm.s32 $_size_execute0_lowered;
	s5 =	sadd.s32 s5, s7;
	[dreg:$0x0] =	wrdreg $0x0  }
0xbd: {  	s7 =	sshll.u32 s28, $0x1;
	[dreg:$0x2] =	wrdreg s5  }
0xbe: {  	[dreg:$0x3] =	wrdreg s7  }
0xbf: {  	[dreg:$0x4] =	wrdreg $0xC0  }
0xc0: {  	_ =	task [dreg:s22], $0x5FFFF  }
0xc1: {  	[dreg:$0x1] =	wrdreg $0xFFFFFFFF  }
0xc2: {  	[dreg:$0x0] =	wrdreg $0x60  }
0xc3: {  	[dreg:$0x2] =	wrdreg s17  }
0xc4: {  	[dreg:$0x3] =	wrdreg s24  }
0xc5: {  	[dreg:$0x4] =	wrdreg s18  }
0xc6: {  	[dreg:$0x5] =	wrdreg $0xB  }
0xc7: {  	_ =	task.clear_ibuf [dreg:s22], $0x6FFFF;
	_ =	strace $0x90000049  }
0xc8: {  	s29 =	simm.s32 $0xB;
	_ =	strace $0x8000004B  }
0xc9: {  	_ =	swait.ge [sflag:s29], $0x1  }
0xca: {  	[sflag:s29] =	ssyncadd.s32 $0xFFFFFFFF  }
0xcb: {  	_ =	strace $0x9000004B  }
0xcc: {  	_ =	sfence  }
0xcd: {  	s30 =	sld [smem:$0x0];
	_ =	sdelay $0x2  }
0xce: {  	s31 =	sshll.u32 s1, $0xD;
	s1 =	sshrl.u32 s1, $0x2  }
0xcf: {  	s4 =	sand.u32 $0x4000, s31;
	s1 =	sadd.s32 s1, s30  }
0xd0: {  	s0 =	sor.u32 s4, s0;
	s1 =	sshll.u32 s1, $0x11  }
0xd1: {  	s0 =	sor.u32 s1, s0  }
0xd2: {  	s0 =	sadd.s32 $0x8F2B, s0  }
0xd3: {  	[sflag:s0] =	ssyncadd.remote.s32 $0x1  }
0xd4: {  	_ =	sfence.sel $0xFFFF  }
0xd5: {  	[dreg:$0x0] =	wrdreg $0xFFFFFFFF;
	(pc) =	sbr.abs _section_cstart, $3  }
0xd6: {  	[dreg:$0x1] =	wrdreg $0xFFFFFFFF  }
0xd7: {  	_ =	task.clear_ibuf [dreg:s22], $0x2FFFF;
	_ =	strace $0x9FFFFFFF  }
0xd8: {  	(tm) =	ssettm $0x7FFFFFFF  }
0xd9: {  	_ =	shalt  }
tec
execute0_lowered:
.L_overlay_start_1:
0x0: {  	(tag) =	ssettag $0x1  }
0x1: {  	s1 =	srdreg.scid;
	s16 =	rddreg [dreg:$0x0]  }
0x2: {  	s0 =	stileid.u32;
	s8 =	rddreg [dreg:$0x1]  }
0x3: {  	s15 =	rddreg [dreg:$0x2];
	s2 =	simm.s32 $0x0;
	s22 =	simm.s32 $0x400  }
0x4: {  	s23 =	simm.s32 $0x1400;
	s24 =	simm.s32 $0x2;
	s25 =	simm.s32 $0x80  }
0x5: {  	s26 =	simm.s32 $0x1000;
	s28 =	simm.s32 $0x0;
	s1 =	sand.u32 $0x1, s1  }
0x6: {  	s3 =	smul.u32 $0xC800, s0;
	[smem:$0x7FF] =	sst s2;
	s30 =	sshll.u32 s0, $0x1  }
0x7: {  	s10 =	smul.u32 $0xC8000, s0;
	s6 =	sadd.s32 $0x41C7000, s8;
	s7 =	sadd.s32 $0x44D8400, s8  }
0x8: {  	s4 =	smul.u32 $0x6400, s1;
	_ =	strace $0x8000004A;
	s9 =	sor.u32 s1, s30  }
0x9: {  	s14 =	ssub.s32 $0x2, s1;
	s1 =	smul.u32 $0x64000, s1;
	s5 =	sshll.u32 s9, $0x4  }
0xa: {  	s11 =	sshll.u32 s9, $0xD;
	s19 =	sadd.s32 s10, s8;
	s9 =	sshll.u32 s9, $0xB  }
0xb: {  	s21 =	sshrl.u32 s14, $0x1;
	s3 =	sadd.s32 s4, s3;
	s4 =	sadd.s32 $0x4040600, s8  }
0xc: {  	s12 =	sadd.s32 s5, s8;
	s5 =	sadd.s32 $0x434DA00, s8;
	s13 =	sadd.s32 s11, s8  }
0xd: {  	s31 =	sadd.s32 s9, s8;
	s14 =	ssub.s32 s14, s21;
	s1 =	sadd.s32 s1, s19  }
0xe: {  	s19 =	simm.s32 $0x3;
	s17 =	sshrl.u32 s3, $0x3;
	s3 =	sadd.s32 $0x44D4400, s8  }
0xf: {  	s21 =	simm.s32 $0x1;
	s9 =	sadd.s32 $0x515CA00, s13;
	s10 =	sadd.s32 $0x44DC600, s12  }
0x10: {  	s11 =	sadd.s32 $0x519CA00, s31;
	s13 =	sadd.s32 $0x515CA80, s13;
	s14 =	smax.u32 s14, $0x1  }
0x11: {  	s18 =	sadd.s32 s17, s8;
	s8 =	sadd.s32 $0x44DC800, s12;
	s20 =	smul.u32 $0x280, s17  }
0x12: {  	s12 =	sadd.s32 $0x44DC400, s12;
	s16 =	sadd.s32 s17, s16;
	s17 =	sadd.s32 $0x44DCA00, s1  }
0x13: {  	s18 =	sadd.s32 $0x4027600, s18;
	s15 =	sadd.s32 s20, s15;
	s20 =	simm.s32 $0x100  }
.LBB2_1:
0x14: {  	s1 =	sadd.s32 $0x0, s16  }
0x15: {  	[tilespmem:s2], [sflag:$0x3] =	stream.linear.gather [hbm4b:s1+s2], $0x100, $0x38;
	[tilespmem:$0x8100] =	vst v63  }
0x16: {  	_ =	swait.ge [sflag:s19], $0x100  }
0x17: {  	[sflag:s19] =	ssyncset.done $0x0  }
0x18: {  	[sflag:s19] =	ssyncadd.s32 $0xFFFFFF00  }
0x19: {  	[tilespmem:s20], [sflag:$0x1] =	stream.indirect.gather [hbm4b:s3+s20], $0x80, s2, s20, $0xb8;
	[tilespmem:$0x8100] =	vst v63  }
0x1a: {  	_ =	swait.ge [sflag:s21], $0x8000  }
0x1b: {  	[sflag:s21] =	ssyncset.done $0x0  }
0x1c: {  	[sflag:s21] =	ssyncadd.s32 $0xFFFF8000  }
0x1d: {  	[hbm4b:s15+s22] =	stream.strided.scatter [tilespmem:s20], [sflag:$0x2], $0x8000, s23, s22, $0x38;
	[tilespmem:$0x8100] =	vst v63  }
0x1e: {  	s30 =	simm.s32 $0x40;
	_ =	swait.ge [sflag:s24], $0x8000  }
0x1f: {  	s29 =	sadd.s32 $0x5000, s15;
	s1 =	sadd.s32 $0x20, s16;
	[sflag:s24] =	ssyncset.done $0x0  }
.LBB2_2:
0x20: {  	s0 =	sadd.s32 s30, s16;
	s31 =	simm.s32 $0x0;
	[sflag:s24] =	ssyncadd.s32 $0xFFFF8000  }
0x21: {  	[tilespmem:s31], [sflag:$0x3] =	stream.linear.gather [hbm4b:s1+s31], $0x100, $0x38;
	[tilespmem:$0x8100] =	vst v63  }
0x22: {  	p0 =	sne.s32 s30, $0xC60;
	s30 =	sadd.s32 $0x20, s30;
	_ =	swait.ge [sflag:s19], $0x100  }
0x23: {  	s1 =	smov.u32 s0;
	[sflag:s19] =	ssyncset.done $0x0  }
0x24: {  	[sflag:s19] =	ssyncadd.s32 $0xFFFFFF00  }
0x25: {  	[tilespmem:s20], [sflag:$0x1] =	stream.indirect.gather [hbm4b:s3+s20], $0x80, s31, s20, $0xb8;
	[tilespmem:$0x8100] =	vst v63  }
0x26: {  	_ =	swait.ge [sflag:s21], $0x8000  }
.Ltmp0:
0x27: {  	[sflag:s21] =	ssyncset.done $0x0;
	(pc) =	sbr.rel @p0 .LBB2_2-.Ltmp0, $4  }
0x28: {  	[sflag:s21] =	ssyncadd.s32 $0xFFFF8000  }
0x29: {  	[hbm4b:s29+s22] =	stream.strided.scatter [tilespmem:s20], [sflag:$0x2], $0x8000, s23, s22, $0x38;
	[tilespmem:$0x8100] =	vst v63  }
0x2a: {  	_ =	swait.ge [sflag:s24], $0x8000  }
0x2b: {  	s29 =	sadd.s32 $0x5000, s29;
	[sflag:s24] =	ssyncset.done $0x0  }
0x2c: {  	[sflag:s24] =	ssyncadd.s32 $0xFFFF8000  }
0x2d: {  	[tilespmem:s31], [sflag:$0x3] =	stream.linear.gather [hbm4b:s1+s31], $0x100, $0x38;
	[tilespmem:$0x8100] =	vst v63  }
0x2e: {  	_ =	swait.ge [sflag:s19], $0x100  }
0x2f: {  	[sflag:s19] =	ssyncset.done $0x0  }
0x30: {  	[sflag:s19] =	ssyncadd.s32 $0xFFFFFF00  }
0x31: {  	[tilespmem:s20], [sflag:$0x1] =	stream.indirect.gather [hbm4b:s3+s20], $0x80, s31, s20, $0xb8;
	[tilespmem:$0x8100] =	vst v63  }
0x32: {  	_ =	swait.ge [sflag:s21], $0x8000  }
0x33: {  	p1 =	por $0x1, $0x1;
	[sflag:s21] =	ssyncset.done $0x0  }
.Ltmp1:
0x34: {  	[sflag:s21] =	ssyncadd.s32 $0xFFFF8000;
	(pc) =	sbr.rel @!p1 .LBB2_8-.Ltmp1, $4  }
0x35: {  	[hbm4b:s29+s22] =	stream.strided.scatter [tilespmem:s20], [sflag:$0x2], $0x8000, s23, s22, $0x38;
	[tilespmem:$0x8100] =	vst v63  }
0x36: {  	_ =	swait.ge [sflag:s24], $0x8000  }
0x37: {  	p0 =	por $0x0, $0x0;
	[sflag:s24] =	ssyncset.done $0x0  }
0x38: {  	s30 =	smov.u32 s17;
	s29 =	simm.s32 $0x20;
	[sflag:s24] =	ssyncadd.s32 $0xFFFF8000  }
0x39: {  	s0 =	sadd.s32 $0x0, s18  }
0x3a: {  	[tilespmem:s2], [sflag:$0x3] =	stream.linear.gather [hbm4b:s0+s2], $0x100, $0x38;
	[tilespmem:$0x8100] =	vst v63  }
0x3b: {  	_ =	swait.ge [sflag:s19], $0x100  }
0x3c: {  	[sflag:s19] =	ssyncset.done $0x0  }
0x3d: {  	[sflag:s19] =	ssyncadd.s32 $0xFFFFFF00  }
0x3e: {  	[tilespmem:s20], [sflag:$0x1] =	stream.indirect.gather [hbm4b:s4+s20], $0x80, s2, s20, $0xb8;
	[tilespmem:$0x8100] =	vst v63  }
0x3f: {  	p1 =	por $0x1, $0x1;
	_ =	swait.ge [sflag:s21], $0x8000  }
.Ltmp2:
0x40: {  	[sflag:s21] =	ssyncset.done $0x0;
	(pc) =	sbr.rel @!p1 .LBB2_5-.Ltmp2, $4  }
0x41: {  	[sflag:s21] =	ssyncadd.s32 $0xFFFF8000  }
0x42: {  	[hbm4b:s17+s2] =	stream.linear.scatter [tilespmem:s20], [sflag:$0x2], $0x8000, $0x38;
	[tilespmem:$0x8100] =	vst v63  }
0x43: {  	s1 =	simm.s32 $0x40;
	_ =	swait.ge [sflag:s24], $0x8000  }
0x44: {  	s30 =	sadd.s32 $0x1000, s17;
	p0 =	por $0x1, $0x1;
	[sflag:s24] =	ssyncset.done $0x0  }
.LBB2_6:
0x45: {  	s0 =	sadd.s32 s29, s18  }
0x46: {  	[sflag:s24] =	ssyncadd.s32 $0xFFFF8000;
	s29 =	smov.u32 s1;
	s31 =	sadd.s32 $0x20, s1  }
0x47: {  	[tilespmem:s2], [sflag:$0x3] =	stream.linear.gather [hbm4b:s0+s2], $0x100, $0x38;
	[tilespmem:$0x8100] =	vst v63  }
0x48: {  	p1 =	sne.s32 s1, $0xC60;
	_ =	swait.ge [sflag:s19], $0x100  }
0x49: {  	[sflag:s19] =	ssyncset.done $0x0  }
0x4a: {  	[sflag:s19] =	ssyncadd.s32 $0xFFFFFF00  }
0x4b: {  	[tilespmem:s20], [sflag:$0x1] =	stream.indirect.gather [hbm4b:s4+s20], $0x80, s2, s20, $0xb8;
	[tilespmem:$0x8100] =	vst v63  }
0x4c: {  	_ =	swait.ge [sflag:s21], $0x8000  }
.Ltmp3:
0x4d: {  	[sflag:s21] =	ssyncset.done $0x0;
	(pc) =	sbr.rel @p1 .LBB2_6-.Ltmp3, $4  }
0x4e: {  	[sflag:s21] =	ssyncadd.s32 $0xFFFF8000  }
0x4f: {  	[hbm4b:s30+s2] =	stream.linear.scatter [tilespmem:s20], [sflag:$0x2], $0x8000, $0x38;
	[tilespmem:$0x8100] =	vst v63  }
0x50: {  	_ =	swait.ge [sflag:s24], $0x8000  }
0x51: {  	s1 =	smov.u32 s31;
	s30 =	sadd.s32 $0x1000, s30;
	[sflag:s24] =	ssyncset.done $0x0  }
0x52: {  	s31 =	smov.u32 s29  }
.LBB2_8:
0x53: {  	s0 =	sadd.s32 s31, s18;
	[sflag:s24] =	ssyncadd.s32 @p0 $0xFFFF8000  }
0x54: {  	[tilespmem:s2], [sflag:$0x3] =	stream.linear.gather [hbm4b:s0+s2], $0x100, $0x38;
	[tilespmem:$0x8100] =	vst v63  }
0x55: {  	_ =	swait.ge [sflag:s19], $0x100  }
0x56: {  	[sflag:s19] =	ssyncset.done $0x0  }
0x57: {  	[sflag:s19] =	ssyncadd.s32 $0xFFFFFF00  }
0x58: {  	[tilespmem:s20], [sflag:$0x1] =	stream.indirect.gather [hbm4b:s4+s20], $0x80, s2, s20, $0xb8;
	[tilespmem:$0x8100] =	vst v63  }
0x59: {  	_ =	swait.ge [sflag:s21], $0x8000  }
0x5a: {  	[sflag:s21] =	ssyncset.done $0x0  }
0x5b: {  	[sflag:s21] =	ssyncadd.s32 $0xFFFF8000  }
0x5c: {  	[hbm4b:s30+s2] =	stream.linear.scatter [tilespmem:s20], [sflag:$0x2], $0x8000, $0x38;
	[tilespmem:$0x8100] =	vst v63  }
0x5d: {  	_ =	swait.ge [sflag:s24], $0x8000  }
0x5e: {  	[sflag:s24] =	ssyncset.done $0x0  }
0x5f: {  	[sflag:s24] =	ssyncadd.s32 $0xFFFF8000  }
0x60: {  	[tilespmem:s2], [sflag:$0x3] =	stream.linear.gather [hbm4b:s8+s2], $0x80, $0x38;
	[tilespmem:$0x8100] =	vst v63  }
0x61: {  	_ =	swait.ge [sflag:s19], $0x80  }
0x62: {  	[sflag:s19] =	ssyncset.done $0x0  }
0x63: {  	[sflag:s19] =	ssyncadd.s32 $0xFFFFFF80  }
0x64: {  	[tilespmem:s20], [sflag:$0x1] =	stream.indirect.gather [hbm4b:s6+s25], $0x80, s2, s25, $0xb8;
	[tilespmem:$0x8100] =	vst v63  }
0x65: {  	_ =	swait.ge [sflag:s21], $0x4000  }
0x66: {  	[sflag:s21] =	ssyncset.done $0x0  }
0x67: {  	[sflag:s21] =	ssyncadd.s32 $0xFFFFC000  }
0x68: {  	[hbm4b:s9+s22] =	stream.strided.scatter [tilespmem:s20], [sflag:$0x2], $0x4000, s26, s22, $0x38;
	[tilespmem:$0x8100] =	vst v63  }
0x69: {  	_ =	swait.ge [sflag:s24], $0x4000  }
0x6a: {  	[sflag:s24] =	ssyncset.done $0x0  }
0x6b: {  	[sflag:s24] =	ssyncadd.s32 $0xFFFFC000  }
0x6c: {  	[tilespmem:s2], [sflag:$0x3] =	stream.linear.gather [hbm4b:s10+s2], $0x80, $0x38;
	[tilespmem:$0x8100] =	vst v63  }
0x6d: {  	_ =	swait.ge [sflag:s19], $0x80  }
0x6e: {  	[sflag:s19] =	ssyncset.done $0x0  }
0x6f: {  	[sflag:s19] =	ssyncadd.s32 $0xFFFFFF80  }
0x70: {  	[tilespmem:s20], [sflag:$0x1] =	stream.indirect.gather [hbm4b:s5+s25], $0x80, s2, s25, $0xb8;
	[tilespmem:$0x8100] =	vst v63  }
0x71: {  	_ =	swait.ge [sflag:s21], $0x4000  }
0x72: {  	[sflag:s21] =	ssyncset.done $0x0  }
0x73: {  	[sflag:s21] =	ssyncadd.s32 $0xFFFFC000  }
0x74: {  	[hbm4b:s11+s2] =	stream.linear.scatter [tilespmem:s20], [sflag:$0x2], $0x4000, $0x38;
	[tilespmem:$0x8100] =	vst v63  }
0x75: {  	_ =	swait.ge [sflag:s24], $0x4000  }
0x76: {  	[sflag:s24] =	ssyncset.done $0x0  }
0x77: {  	[sflag:s24] =	ssyncadd.s32 $0xFFFFC000  }
0x78: {  	[tilespmem:s2], [sflag:$0x3] =	stream.linear.gather [hbm4b:s12+s2], $0x80, $0x38;
	[tilespmem:$0x8100] =	vst v63  }
0x79: {  	_ =	swait.ge [sflag:s19], $0x80  }
0x7a: {  	[sflag:s19] =	ssyncset.done $0x0  }
0x7b: {  	[sflag:s19] =	ssyncadd.s32 $0xFFFFFF80  }
0x7c: {  	[tilespmem:s20], [sflag:$0x1] =	stream.indirect.gather [hbm4b:s7+s25], $0x80, s2, s25, $0xb8;
	[tilespmem:$0x8100] =	vst v63  }
0x7d: {  	_ =	swait.ge [sflag:s21], $0x4000  }
0x7e: {  	s28 =	sadd.s32 $0x1, s28;
	[sflag:s21] =	ssyncset.done $0x0  }
0x7f: {  	p0 =	sne.s32 s28, s14;
	[sflag:s21] =	ssyncadd.s32 $0xFFFFC000  }
0x80: {  	[hbm4b:s13+s22] =	stream.strided.scatter [tilespmem:s20], [sflag:$0x2], $0x4000, s26, s22, $0x38;
	[tilespmem:$0x8100] =	vst v63  }
.Ltmp4:
0x81: {  	_ = 	snop;
	(pc) =	sbr.rel @p0 .LBB2_1-.Ltmp4, $4  }
.Ltmp5:
0x82: {  	_ = 	snop;
	(pc) =	sbr.rel @!p0 .LBB2_9-.Ltmp5, $4  }
0x83: {  	_ =	swait.ge [sflag:s24], $0x4000  }
0x84: {  	[sflag:s24] =	ssyncset.done $0x0  }
0x85: {  	[sflag:s24] =	ssyncadd.s32 $0xFFFFC000  }
0x86: {  	_ = 	snop  }
.LBB2_5:
.Ltmp6:
0x87: {  	(pc) =	sbr.rel .LBB2_8-.Ltmp6, $2  }
0x88: {  	_ =	sdelay $0x2  }
0x89: {  	s31 =	simm.s32 $0x20  }
.LBB2_9:
0x8a: {  	_ =	sfence.sel $0x180000  }
0x8b: {  	[bflag:$0x0] =	sbarrier.arrive $0xFFFF  }
0x8c: {  	_ =	strace $0x9000004A  }
0x8d: {  	s0 =	stileid.u32;
	[bflag:$0x2] =	sbarrier.arrive $0xFFFF  }
0x8e: {  	p0 =	sne.s32 s0, $0x0;
	s0 =	rddreg [dreg:$0x3]  }
0x8f: {  	s0 =	sadd.s32 @!p0 $0x100000, s0  }
0x90: {  	[sflag:s0] =	ssyncadd.tile.s32 @!p0 $0x1;
	_ =	shalt  }
.Lfunc_end2:
_tile_overlayer_lowered:
.L_overlay_start_2:
0x91: {  	(tag) =	ssettag $0x2  }
0x92: {  	s0 =	rddreg [dreg:$0x0];
	s2 =	stileid.u32  }
0x93: {  	s1 =	rddreg [dreg:$0x1];
	p0 =	sne.s32 s2, $0x0  }
0x94: {  	s3 =	rddreg [dreg:$0x2];
	[bflag:$0x3] =	sbarrier.arrive $0xFFFF;
	s2 =	simm.s32 @!p0 $0x1C03  }
0x95: {  	[timem:s3], [sflag:s2] =	dma.local @!p0 [hbm:s0], s1  }
0x96: {  	s0 =	simm.s32 @!p0 $0x3  }
0x97: {  	_ =	swait.ge @!p0 [sflag:s0], s1  }
0x98: {  	s1 =	ssub.s32 @!p0 $0x0, s1;
	[sflag:s0] =	ssyncset.done @!p0 $0x0  }
0x99: {  	[sflag:s0] =	ssyncadd.s32 @!p0 s1  }
0x9a: {  	[bflag:$0x3] =	sbarrier.arrive $0xFFFF  }
0x9b: {  	_ =	shalt  }

// kernel: sparse-core-data-format-call.1.cloned.1.call-start
scs
called_computation.1_lowered:
.L_overlay_start_0:
0x0: {  	s2 =	sld [smem:$0x3FD9]  }
0x1: {  	s3 =	sld [smem:$0x3FFE];
	_ =	sdelay $0x1  }
0x2: {  	s1 =	srdreg.scid  }
0x3: {  	s0 =	sand.u32 $0x1, s1  }
0x4: {  	s16 =	sshll.u32 s0, $0xA;
	s2 =	sadd.s32 s3, s2  }
0x5: {  	s2 =	sadd.s32 s2, s16  }
0x6: {  	[smem:$0x3FB3] =	sst s2  }
0x7: {  	_ = 	snop  }
0x8: {  	s2 =	sld [smem:$0x3FD0];
	_ =	sdelay $0x2  }
0x9: {  	s17 =	simm.s32 $0xC;
	s4 =	simm.s32 $0x10  }
0xa: {  	[smem:s4], [sflag:s17] =	dma.local [hbm:s2], $0x1  }
0xb: {  	_ =	swait.eq [sflag:s17], $0x1  }
0xc: {  	[sflag:s17] =	ssyncset.done $0x0  }
0xd: {  	[sflag:s17] =	ssyncadd.s32 $0xFFFFFFFF  }
0xe: {  	s18 =	sld [smem:$0x12];
	(tm) =	ssettm $0x1  }
0xf: {  	s19 =	sld [smem:$0x3FFB];
	_ =	sdelay $0x3  }
0x10: {  	_ =	strace s19  }
0x11: {  	s2 =	sld [smem:$0x3FFC];
	_ =	sdelay $0x3  }
0x12: {  	_ =	strace s2  }
0x13: {  	s2 =	sld [smem:$0x3FFD];
	_ =	sdelay $0x3  }
0x14: {  	_ =	strace s2  }
0x15: {  	_ =	strace $0x8FFFFFFF  }
0x16: {  	s20 =	sld [smem:$0x3FDB];
	_ =	sdelay $0x1  }
0x17: {  	s21 =	simm.s32 $_scs_section_size  }
0x18: {  	s5 =	simm.s32 $_size__tile_overlayer_lowered;
	s6 =	simm.s32 $_tile_overlayer_lowered  }
0x19: {  	s7 =	simm.s32 $0x1BFF;
	s22 =	sshll.u32 s6, $0x1;
	s4 =	sadd.s32 s21, s20  }
0x1a: {  	s23 =	simm.s32 $0x0;
	s5 =	sshll.u32 s5, $0x1;
	s6 =	sadd.s32 s22, s4  }
0x1b: {  	[timem:s23], [sflag:s7] =	dma.local [hbm:s6], s5  }
0x1c: {  	_ =	swait.ge [sflag:s7], s5  }
0x1d: {  	s5 =	ssub.s32 $0x0, s5;
	[sflag:s7] =	ssyncset.done $0x0  }
0x1e: {  	[sflag:s7] =	ssyncadd.s32 s5;
	_ =	sdelay $0x1  }
0x1f: {  	s24 =	simm.s32 $0x1B8B  }
0x20: {  	_ =	swait.ge [sflag:s24], $0x1  }
0x21: {  	[sflag:s24] =	ssyncset.done $0x0  }
0x22: {  	[sflag:s24] =	ssyncadd.s32 $0xFFFFFFFF  }
0x23: {  	s5 =	sld [smem:$0x0]  }
0x24: {  	s6 =	sand.u32 $0xFFFFFFFE, s1  }
0x25: {  	p0 =	sne.s32 s1, s6  }
0x26: {  	s6 =	sshll.u32 @p0 s6, $0xE  }
0x27: {  	s6 =	sadd.s32 @p0 $0x11B8D, s6;
	s7 =	sshll.u32 @p0 s5, $0x11  }
0x28: {  	s6 =	sor.u32 @p0 s7, s6  }
0x29: {  	[sflag:s6] =	ssyncadd.remote.s32 @p0 $0x1;
	_ =	sdelay $0x1  }
0x2a: {  	s6 =	simm.s32 @p0 $0x1B8D  }
0x2b: {  	_ =	swait.eq @p0 [sflag:s6], $0x1  }
0x2c: {  	[sflag:s6] =	ssyncadd.s32 @p0 $0xFFFFFFFF  }
0x2d: {  	s7 =	sshll.u32 @!p0 s1, $0xE  }
0x2e: {  	s7 =	sor.u32 @!p0 $0x4000, s7;
	s6 =	simm.s32 @!p0 $0x1B8D  }
0x2f: {  	s5 =	sshll.u32 @!p0 s5, $0x11;
	s7 =	sadd.s32 @!p0 $0x11B8D, s7;
	_ =	swait.eq @!p0 [sflag:s6], $0x1  }
0x30: {  	s5 =	sor.u32 @!p0 s5, s7;
	[sflag:s6] =	ssyncadd.s32 @!p0 $0xFFFFFFFF  }
0x31: {  	s26 =	simm.s32 $0x1B8E;
	s25 =	sld [smem:$0x3FFE];
	[sflag:s5] =	ssyncadd.remote.s32 @!p0 $0x1  }
0x32: {  	s27 =	simm.s32 $execute0_lowered;
	[smem:$0x3FD2] =	sst s26  }
0x33: {  	s6 =	sshll.u32 s27, $0x1;
	_ =	strace $0x8000004F;
	[dreg:$0x1] =	wrdreg $0xFFFFFFFF  }
0x34: {  	s28 =	simm.s32 $_size_execute0_lowered;
	s4 =	sadd.s32 s4, s6;
	[dreg:$0x0] =	wrdreg $0x0  }
0x35: {  	s6 =	sshll.u32 s28, $0x1;
	[dreg:$0x2] =	wrdreg s4  }
0x36: {  	[dreg:$0x3] =	wrdreg s6  }
0x37: {  	[dreg:$0x4] =	wrdreg $0xC0  }
0x38: {  	_ =	task [dreg:s23], $0x5FFFF  }
0x39: {  	[dreg:$0x1] =	wrdreg $0xFFFFFFFF  }
0x3a: {  	[dreg:$0x0] =	wrdreg $0x60  }
0x3b: {  	[dreg:$0x2] =	wrdreg s25  }
0x3c: {  	[dreg:$0x3] =	wrdreg s18  }
0x3d: {  	[dreg:$0x4] =	wrdreg $0xA  }
0x3e: {  	_ =	task.clear_ibuf [dreg:s23], $0x5FFFF;
	_ =	strace $0x9000004F  }
0x3f: {  	s29 =	simm.s32 $0xA;
	_ =	strace $0x80000051  }
0x40: {  	_ =	swait.ge [sflag:s29], $0x1  }
0x41: {  	[sflag:s29] =	ssyncadd.s32 $0xFFFFFFFF  }
0x42: {  	_ =	strace $0x90000051  }
0x43: {  	_ =	sfence  }
0x44: {  	s30 =	sld [smem:$0x0];
	_ =	sdelay $0x2  }
0x45: {  	s31 =	sshll.u32 s1, $0xD;
	s1 =	sshrl.u32 s1, $0x2  }
0x46: {  	s4 =	sand.u32 $0x4000, s31;
	s1 =	sadd.s32 s1, s30  }
0x47: {  	s0 =	sor.u32 s4, s0;
	s1 =	sshll.u32 s1, $0x11  }
0x48: {  	s0 =	sor.u32 s1, s0  }
0x49: {  	s0 =	sadd.s32 $0x8F2B, s0  }
0x4a: {  	[sflag:s0] =	ssyncadd.remote.s32 $0x1  }
0x4b: {  	_ =	sfence.sel $0xFFFF  }
0x4c: {  	[dreg:$0x0] =	wrdreg $0xFFFFFFFF;
	(pc) =	sbr.abs _section_cstart, $3  }
0x4d: {  	[dreg:$0x1] =	wrdreg $0xFFFFFFFF  }
0x4e: {  	_ =	task.clear_ibuf [dreg:s23], $0x2FFFF;
	_ =	strace $0x9FFFFFFF  }
0x4f: {  	(tm) =	ssettm $0x7FFFFFFF  }
tec
execute0_lowered:
.L_overlay_start_1:
0x0: {  	(tag) =	ssettag $0x1  }
0x1: {  	s1 =	rddreg [dreg:$0x0]  }
0x2: {  	s2 =	rddreg [dreg:$0x1]  }
0x3: {  	s0 =	rddreg [dreg:$0x2]  }
0x4: {  	s4 =	srdreg.scid;
	_ =	strace $0x80000050;
	s6 =	simm.s32 $0x2  }
0x5: {  	s19 =	simm.s32 $0x0;
	p0 =	por $0x0, $0x0;
	s16 =	simm.s32 $0x0  }
0x6: {  	s17 =	simm.s32 $0x0;
	s18 =	simm.s32 $0x0;
	s7 =	simm.s32 $0x0  }
0x7: {  	s8 =	simm.s32 $0x0;
	s10 =	simm.s32 $0x0;
	s11 =	simm.s32 $0x0  }
.Ltmp0:
0x8: {  	s12 =	simm.s32 $0x0;
	s13 =	simm.s32 $0x0;
	(pc) =	sbr.rel .LBB1_1-.Ltmp0, $4  }
0x9: {  	s15 =	simm.s32 $0x0;
	s3 =	sadd.s32 $0x5E2CA00, s1;
	s4 =	sshll.u32 s4, $0x4  }
0xa: {  	s1 =	stileid.u32;
	s5 =	sand.u32 $0x10, s4;
	s4 =	simm.s32 $0x1  }
0xb: {  	s9 =	simm.s32 $0x0;
	s5 =	sor.u32 s1, s5;
	[sflag:s4] =	ssyncpa.u1 $0x0  }
0xc: {  	[sflag:s6] =	ssyncpa.u1 $0x0;
	s6 =	simm.s32 $0x240000;
	s14 =	smov.u32 s5  }
.LBB1_5:
0xd: {  	p1 =	slt.u32 s9, $0x2  }
0xe: {  	s20 =	smov.u32 s19;
	p2 =	sgt.s32 @!p1 s19, $0x48  }
0xf: {  	s21 =	sshra.s32 @!p1 s19, $0x1F;
	s22 =	sshra.s32 @!p1 s18, $0x1F;
	p4 =	sgt.s32 @!p1 s16, $0xF80  }
0x10: {  	p2 =	por !p2, p1;
	s19 =	sand.u32 @!p1 s21, s19;
	s21 =	smov.u32 s18  }
0x11: {  	p4 =	por !p4, p1;
	s20 =	simm.s32 @p2 $0x48;
	p2 =	sgt.s32 @!p1 s18, $0x8  }
0x12: {  	s18 =	sand.u32 @!p1 s22, s18;
	s22 =	smov.u32 s16;
	s19 =	ssub.s32 @!p1 s20, s19  }
0x13: {  	p2 =	por !p2, p1;
	s22 =	simm.s32 @p4 $0xF80;
	s20 =	sadd.s32 @!p1 $0xFFFFFFB8, s19  }
0x14: {  	s21 =	simm.s32 @p2 $0x8;
	s19 =	ssub.s32 @!p1 $0xC8, s19;
	p3 =	sgt.s32 @!p1 s20, $0x7F  }
0x15: {  	s18 =	ssub.s32 @!p1 s21, s18;
	s21 =	sshra.s32 @!p1 s17, $0x1F;
	p2 =	por !p3, p1  }
0x16: {  	s20 =	sadd.s32 @!p1 $0xFFFFFFF8, s18;
	p3 =	sgt.s32 @!p1 s17, $0x3F;
	s19 =	simm.s32 @!p2 $0x0  }
0x17: {  	p2 =	sgt.s32 @!p1 s20, $0x0;
	p3 =	por !p3, p1;
	s20 =	smov.u32 s17  }
0x18: {  	s18 =	ssub.s32 @!p1 $0x9, s18;
	s17 =	sand.u32 @!p1 s21, s17;
	s20 =	simm.s32 @p3 $0x3F  }
0x19: {  	s21 =	smov.u32 s13;
	s17 =	ssub.s32 @!p1 s20, s17;
	s20 =	sshra.s32 @!p1 s16, $0x1F  }
0x1a: {  	p2 =	por !p2, p1;
	s16 =	sand.u32 @!p1 s20, s16;
	s20 =	sadd.s32 @!p1 $0xFFFFFFC1, s17  }
0x1b: {  	s18 =	simm.s32 @!p2 $0x0;
	p2 =	sgt.s32 @!p1 s20, $0x0;
	s16 =	ssub.s32 @!p1 s22, s16  }
0x1c: {  	s17 =	ssub.s32 @!p1 $0x40, s17;
	p2 =	por !p2, p1;
	s20 =	sadd.s32 @!p1 $0xFFFFF080, s16  }
0x1d: {  	s16 =	ssub.s32 @!p1 $0x1000, s16;
	s17 =	simm.s32 @!p2 $0x0;
	p2 =	sgt.s32 @!p1 s20, $0x7F  }
0x1e: {  	s20 =	sadd.s32 $0x80, s12;
	p2 =	por !p2, p1;
	s17 =	smul.u32 @!p1 s18, s17  }
0x1f: {  	s18 =	sadd.s32 $0x80, s13;
	s16 =	simm.s32 @!p2 $0x0;
	p2 =	sgt.s32 s20, $0xC7  }
0x20: {  	s22 =	smov.u32 s14;
	s16 =	smul.u32 @!p1 s16, s17;
	s21 =	smov.u32 @p2 s18  }
0x21: {  	s20 =	simm.s32 @p2 $0x0;
	s17 =	sadd.s32 $0x20, s14;
	p2 =	sgt.s32 s21, $0xFFF  }
0x22: {  	s9 =	sadd.s32 $0x1, s9;
	s22 =	smov.u32 @p2 s17  }
0x23: {  	s21 =	simm.s32 @p2 $0x0;
	s17 =	simm.s32 $0x1;
	p2 =	sgt.s32 s22, $0x3F  }
0x24: {  	p0 =	por !p0, !p0;
	s23 =	simm.s32 @!p1 $0x2;
	s17 =	simm.s32 @!p2 $0x0  }
0x25: {  	s18 =	smov.u32 s11;
	s11 =	smov.u32 s15;
	s25 =	sadd.s32 s17, s15  }
0x26: {  	s16 =	smul.u32 @!p1 s19, s16;
	s22 =	smov.u32 @p2 s5;
	p2 =	sgt.s32 s25, $0x8  }
0x27: {  	s19 =	smov.u32 s7;
	s25 =	simm.s32 @p2 $0x0;
	p2 =	sne.s32 s9, $0x482  }
.Ltmp1:
0x28: {  	s7 =	smov.u32 s12;
	s16 =	sand.u32 @!p1 $0x3FFFFFFF, s16;
	(pc) =	sbr.rel @!p2 .LBB1_6-.Ltmp1, $4  }
0x29: {  	s12 =	smov.u32 s20;
	_ =	swait.ge @!p1 [sflag:s23], s16;
	s24 =	ssub.s32 @!p1 $0x0, s16  }
0x2a: {  	s16 =	smov.u32 s8;
	s17 =	smov.u32 s10;
	s8 =	smov.u32 s13  }
0x2b: {  	s10 =	smov.u32 s14;
	s13 =	smov.u32 s21;
	[sflag:s23] =	ssyncset.done @!p1 $0x0  }
0x2c: {  	s14 =	smov.u32 s22;
	[sflag:s23] =	ssyncadd.s32 @!p1 s24;
	s15 =	smov.u32 s25  }
.LBB1_1:
0x2d: {  	p1 =	sgt.u32 s9, $0x47F  }
0x2e: {  	s20 =	sxor.u32 @!p1 $0xFFFFFFFF, s9;
	s21 =	sand.u32 @!p1 $0x78, s12;
	s22 =	sshll.u32 @!p1 s13, $0x8  }
0x2f: {  	s23 =	sshll.u32 @!p1 s12, $0x3;
	s24 =	sshll.u32 @!p1 s13, $0x7;
	s20 =	sshll.u32 @!p1 s20, $0xE  }
0x30: {  	s22 =	sand.u32 @!p1 $0xFF800, s22;
	s23 =	sand.u32 @!p1 $0xFFC00, s23;
	s20 =	sand.u32 @!p1 $0x4000, s20  }
0x31: {  	s22 =	sadd.s32 @!p1 s22, s23;
	s23 =	sand.u32 @!p1 $0x300, s24;
	s24 =	sand.u32 @!p1 $0x80, s24  }
0x32: {  	s22 =	sor.u32 @!p1 s23, s22;
	s21 =	sor.u32 @!p1 s21, s24;
	s23 =	sshll.u32 @!p1 s15, $0x17  }
0x33: {  	s24 =	sshll.u32 @!p1 s14, $0x11;
	s22 =	sshrl.u32 @!p1 s22, $0x3;
	s23 =	sadd.s32 @!p1 s3, s23  }
0x34: {  	s21 =	sshrl.u32 @!p1 s21, $0x3;
	s23 =	sadd.s32 @!p1 s24, s23;
	s24 =	sand.u32 @!p1 $0x7, s12  }
0x35: {  	s22 =	sand.u32 @!p1 $0x1FFE0, s22;
	s21 =	sadd.s32 @!p1 s21, s23;
	s23 =	sshll.u32 @!p1 s24, $0x12  }
0x36: {  	s21 =	sadd.s32 @!p1 s22, s21;
	s22 =	sor.u32 @!p1 $0x400, s23;
	s23 =	simm.s32 @!p1 $0x800  }
0x37: {  	[tilespmem:s20], [sflag:$0x1] =	stream.strided.gather @!p1 [hbm4b:s21+s22], $0x4000, s23, s22, $0x38;
	[tilespmem:$0x10100] =	vst v63  }
0x38: {  	p1 =	seq.s32 s9, $0x0  }
0x39: {  	p2 =	seq.s32 @!p1 s9, $0x481  }
0x3a: {  	p1 =	por p1, p2  }
.Ltmp2:
0x3b: {  	_ = 	snop;
	(pc) =	sbr.rel @p1 .LBB1_5-.Ltmp2, $1  }
0x3c: {  	_ =	sdelay $0x3  }
0x3d: {  	s20 =	simm.s32 $0x1  }
0x3e: {  	_ =	swait.ge [sflag:s4], $0x4000;
	s20 =	simm.s32 @!p0 $0x0  }
0x3f: {  	[sflag:s4] =	ssyncset.done $0x0;
	s21 =	sshll.u32 s20, $0xE  }
0x40: {  	[sflag:s4] =	ssyncadd.s32 $0xFFFFC000;
	s21 =	sor.u32 $0x40, s21  }
0x41: {  	s20 =	smul.u32 $0x10200, s20;
	v0 =	vld [tilespmem:s21+$0x30]  }
0x42: {  	v1 =	vld [tilespmem:s21+$0xFFFFFFD0]  }
0x43: {  	s20 =	sshrl.u32 s20, $0x2;
	v5 =	vld [tilespmem:s21+$0xFFFFFFE0]  }
0x44: {  	v6 =	vld [tilespmem:s21+$0xFFFFFFF0];
	s23 =	sor.u32 $0x8000, s20  }
0x45: {  	s31 =	sand.u32 $0x1, s9;
	v4 =	vld [tilespmem:s21+$0x0];
	s22 =	sadd.s32 $0x0, s23  }
0x46: {  	v3 =	vld [tilespmem:s21+$0x10];
	s20 =	smul.u32 $0x10200, s31;
	[tilespmem:s22+$0x3870 ss:$0x81] =	vst.msk $0xffff, v0  }
0x47: {  	v2 =	vld [tilespmem:s21+$0x20];
	[tilespmem:s22+$0x810 ss:$0x81] =	vst.msk $0xffff, v1  }
0x48: {  	s20 =	sshrl.u32 s20, $0x2;
	v1 =	vld [tilespmem:s21+$0xFFFFFFC0];
	[tilespmem:s22+$0x1020 ss:$0x81] =	vst.msk $0xffff, v5;
	s21 =	sadd.s32 $0x80, s21  }
0x49: {  	s24 =	simm.s32 $0x4;
	s25 =	simm.s32 $0x8;
	s20 =	sor.u32 $0x8000, s20;
	[tilespmem:s22+$0x1830 ss:$0x81] =	vst.msk $0xffff, v6;
	v0 =	vld [tilespmem:s21+$0x30]  }
.LBB1_3:
0x4a: {  	p1 =	sne.s32 s25, $0x1FC;
	v5 =	vld [tilespmem:s21+$0xFFFFFFD0];
	[tilespmem:s22+$0x2040 ss:$0x81] =	vst.msk $0xffff, v4  }
0x4b: {  	v6 =	vld [tilespmem:s21+$0xFFFFFFE0];
	[tilespmem:s22+$0x2850 ss:$0x81] =	vst.msk $0xffff, v3  }
0x4c: {  	s26 =	sshra.s32 s24, $0x2;
	s24 =	smov.u32 s25;
	v7 =	vld [tilespmem:s21+$0xFFFFFFF0];
	[tilespmem:s22+$0x3060 ss:$0x81] =	vst.msk $0xffff, v2  }
.Ltmp3:
0x4d: {  	v4 =	vld [tilespmem:s21+$0x0];
	[tilespmem:s22+$0x0 ss:$0x81] =	vst.msk $0xffff, v1;
	s22 =	sadd.s32 s26, s23;
	(pc) =	sbr.rel @p1 .LBB1_3-.Ltmp3, $4  }
0x4e: {  	v3 =	vld [tilespmem:s21+$0x10];
	[tilespmem:s22+$0x3870 ss:$0x81] =	vst.msk $0xffff, v0  }
0x4f: {  	[tilespmem:s22+$0x810 ss:$0x81] =	vst.msk $0xffff, v5;
	v2 =	vld [tilespmem:s21+$0x20]  }
0x50: {  	v1 =	vld [tilespmem:s21+$0xFFFFFFC0];
	[tilespmem:s22+$0x1020 ss:$0x81] =	vst.msk $0xffff, v6;
	s21 =	sadd.s32 $0x80, s21  }
0x51: {  	s25 =	sadd.s32 $0x4, s25;
	v0 =	vld [tilespmem:s21+$0x30];
	[tilespmem:s22+$0x1830 ss:$0x81] =	vst.msk $0xffff, v7  }
0x52: {  	s24 =	sshra.s32 s24, $0x2;
	s29 =	sshll.u32 s10, $0x7;
	p1 =	sgt.s32 s7, $0x48  }
0x53: {  	s25 =	smov.u32 s7;
	s26 =	sand.u32 $0x78, s8;
	s27 =	sshra.s32 s7, $0x1F;
	v5 =	vld [tilespmem:s21+$0xFFFFFFD0]  }
0x54: {  	s28 =	smov.u32 s11;
	s31 =	sshra.s32 s10, $0x1F;
	v58 =	vld [tilespmem:s21+$0xFFFFFFE0];
	s23 =	sadd.s32 s24, s23  }
0x55: {  	v59 =	vld [tilespmem:s21+$0xFFFFFFF0];
	s24 =	sand.u32 $0x380, s29;
	s25 =	simm.s32 @!p1 $0x48;
	p1 =	sgt.s32 s11, $0x8  }
0x56: {  	v60 =	vld [tilespmem:s21+$0x0];
	s29 =	sshra.s32 s11, $0x1F;
	s27 =	sand.u32 s27, s7;
	s28 =	simm.s32 @!p1 $0x8  }
0x57: {  	v61 =	vld [tilespmem:s21+$0x10];
	s29 =	sand.u32 s29, s11;
	s24 =	sor.u32 s24, s26;
	s25 =	ssub.s32 s25, s27  }
0x58: {  	v62 =	vld [tilespmem:s21+$0x20];
	p1 =	sgt.s32 s10, $0x3F;
	s26 =	ssub.s32 s28, s29;
	s28 =	smov.u32 s10  }
0x59: {  	v63 =	vld [tilespmem:s21+$0xFFFFFFC0];
	s29 =	sand.u32 s31, s10;
	s21 =	ssub.s32 $0xC8, s25;
	s30 =	sadd.s32 $0xFFFFFFF8, s26  }
0x5a: {  	s28 =	simm.s32 @!p1 $0x3F;
	p1 =	sgt.s32 s8, $0xF80;
	p2 =	sgt.s32 s30, $0x0  }
0x5b: {  	s27 =	ssub.s32 s28, s29;
	s28 =	smov.u32 s8;
	s30 =	sshra.s32 s8, $0x1F  }
0x5c: {  	s26 =	ssub.s32 $0x9, s26;
	s28 =	simm.s32 @!p1 $0xF80;
	s29 =	sand.u32 s30, s8  }
0x5d: {  	[tilespmem:s22+$0x2040 ss:$0x81] =	vst.msk $0xffff, v4;
	s26 =	simm.s32 @p2 $0x0;
	s31 =	sadd.s32 $0xFFFFFFC1, s27;
	s27 =	ssub.s32 $0x40, s27  }
0x5e: {  	[tilespmem:s22+$0x2850 ss:$0x81] =	vst.msk $0xffff, v3;
	s28 =	ssub.s32 s28, s29;
	p1 =	sgt.s32 s31, $0x0;
	s31 =	sshll.u32 s10, $0xC  }
0x5f: {  	[tilespmem:s22+$0x3060 ss:$0x81] =	vst.msk $0xffff, v2;
	s30 =	sadd.s32 $0xFFFFF080, s28;
	s27 =	simm.s32 @p1 $0x0;
	s29 =	sand.u32 $0x38000, s31  }
0x60: {  	[tilespmem:s22+$0x0 ss:$0x81] =	vst.msk $0xffff, v1;
	s28 =	ssub.s32 $0x1000, s28;
	p1 =	sgt.s32 s30, $0x7F;
	s30 =	sshll.u32 s8, $0x3  }
0x61: {  	[tilespmem:s23+$0x3870 ss:$0x81] =	vst.msk $0xffff, v0;
	s31 =	sadd.s32 $0xFFFFFFB8, s25;
	s26 =	smul.u32 s26, s27;
	s22 =	sadd.s32 s29, s30  }
0x62: {  	[tilespmem:s23+$0x810 ss:$0x81] =	vst.msk $0xffff, v5;
	s27 =	sand.u32 $0xC00, s30;
	s28 =	simm.s32 @p1 $0x0;
	p1 =	sgt.s32 s31, $0x7F  }
0x63: {  	[tilespmem:s23+$0x1020 ss:$0x81] =	vst.msk $0xffff, v58;
	s30 =	smul.u32 $0x48000, s7;
	s31 =	sshll.u32 s11, $0xF;
	s24 =	sor.u32 s27, s24  }
0x64: {  	[tilespmem:s23+$0x1830 ss:$0x81] =	vst.msk $0xffff, v59;
	s29 =	smul.u32 s28, s26;
	s21 =	simm.s32 @p1 $0x0;
	s22 =	sshrl.u32 s22, $0x3  }
.Ltmp4:
0x65: {  	[tilespmem:s23+$0x2040 ss:$0x81] =	vst.msk $0xffff, v60;
	s28 =	sadd.s32 s2, s31;
	s22 =	sand.u32 $0x7E00, s22;
	(pc) =	sbr.rel .LBB1_5-.Ltmp4, $4  }
0x66: {  	[tilespmem:s23+$0x2850 ss:$0x81] =	vst.msk $0xffff, v61;
	s25 =	sadd.s32 s30, s28;
	s21 =	smul.u32 s21, s29;
	s29 =	sand.u32 $0x7, s8  }
0x67: {  	[tilespmem:s23+$0x3060 ss:$0x81] =	vst.msk $0xffff, v62;
	s24 =	sshrl.u32 s24, $0x3;
	s22 =	sadd.s32 s22, s25;
	s30 =	sshll.u32 s29, $0x12  }
0x68: {  	[tilespmem:s23+$0x0 ss:$0x81] =	vst.msk $0xffff, v63;
	s22 =	sadd.s32 s24, s22;
	s21 =	sand.u32 $0x3FFFFFFF, s21;
	s31 =	sor.u32 $0x80, s30  }
0x69: {  	[hbm4b:s22+s31] =	stream.strided.scatter [tilespmem:s20], [sflag:$0x2], s21, s6, s31, $0x20;
	[tilespmem:$0x10100] =	vst v63  }
.LBB1_6:
0x6a: {  	_ =	sfence.sel $0x180000  }
0x6b: {  	s2 =	simm.s32 $0x1;
	[bflag:$0x0] =	sbarrier.arrive $0xFFFF  }
0x6c: {  	s31 =	simm.s32 $0x2;
	[sflag:s2] =	ssyncpa.u1 $0x1  }
0x6d: {  	[sflag:s31] =	ssyncpa.u1 $0x1  }
0x6e: {  	p0 =	sne.s32 s1, $0x0;
	_ =	strace $0x90000050  }
0x6f: {  	s0 =	sadd.s32 @!p0 $0x100000, s0;
	[bflag:$0x2] =	sbarrier.arrive $0xFFFF  }
0x70: {  	[sflag:s0] =	ssyncadd.tile.s32 @!p0 $0x1;
	_ =	shalt  }
.Lfunc_end1:
_tile_overlayer_lowered:
.L_overlay_start_2:
0x71: {  	(tag) =	ssettag $0x2  }
0x72: {  	s0 =	rddreg [dreg:$0x0];
	s2 =	stileid.u32  }
0x73: {  	s1 =	rddreg [dreg:$0x1];
	p0 =	sne.s32 s2, $0x0  }
0x74: {  	s3 =	rddreg [dreg:$0x2];
	[bflag:$0x3] =	sbarrier.arrive $0xFFFF;
	s2 =	simm.s32 @!p0 $0x1C01  }
0x75: {  	[timem:s3], [sflag:s2] =	dma.local @!p0 [hbm:s0], s1  }
0x76: {  	s0 =	simm.s32 @!p0 $0x1  }
0x77: {  	_ =	swait.ge @!p0 [sflag:s0], s1  }
0x78: {  	s1 =	ssub.s32 @!p0 $0x0, s1;
	[sflag:s0] =	ssyncset.done @!p0 $0x0  }
0x79: {  	[sflag:s0] =	ssyncadd.s32 @!p0 s1  }
0x7a: {  	[bflag:$0x3] =	sbarrier.arrive $0xFFFF  }
0x7b: {  	_ =	shalt  }

// kernel: sparse-core-data-format-call.2.cloned.1.call-start
scs
called_computation.2_lowered:
.L_overlay_start_0:
0x0: {  	s2 =	sld [smem:$0x3FD9]  }
0x1: {  	s3 =	sld [smem:$0x3FFE];
	_ =	sdelay $0x1  }
0x2: {  	s1 =	srdreg.scid  }
0x3: {  	s0 =	sand.u32 $0x1, s1  }
0x4: {  	s16 =	sshll.u32 s0, $0xA;
	s2 =	sadd.s32 s3, s2  }
0x5: {  	s2 =	sadd.s32 s2, s16  }
0x6: {  	[smem:$0x3FB3] =	sst s2  }
0x7: {  	_ = 	snop  }
0x8: {  	s2 =	sld [smem:$0x3FD0];
	_ =	sdelay $0x2  }
0x9: {  	s17 =	simm.s32 $0xC;
	s4 =	simm.s32 $0x10  }
0xa: {  	[smem:s4], [sflag:s17] =	dma.local [hbm:s2], $0x1  }
0xb: {  	_ =	swait.eq [sflag:s17], $0x1  }
0xc: {  	[sflag:s17] =	ssyncset.done $0x0  }
0xd: {  	[sflag:s17] =	ssyncadd.s32 $0xFFFFFFFF  }
0xe: {  	s18 =	sld [smem:$0x11];
	(tm) =	ssettm $0x1  }
0xf: {  	s19 =	sld [smem:$0x3FFB];
	_ =	sdelay $0x3  }
0x10: {  	_ =	strace s19  }
0x11: {  	s2 =	sld [smem:$0x3FFC];
	_ =	sdelay $0x3  }
0x12: {  	_ =	strace s2  }
0x13: {  	s2 =	sld [smem:$0x3FFD];
	_ =	sdelay $0x3  }
0x14: {  	_ =	strace s2  }
0x15: {  	_ =	strace $0x8FFFFFFF  }
0x16: {  	s20 =	sld [smem:$0x3FDB];
	_ =	sdelay $0x1  }
0x17: {  	s21 =	simm.s32 $_scs_section_size  }
0x18: {  	s5 =	simm.s32 $_size__tile_overlayer_lowered;
	s6 =	simm.s32 $_tile_overlayer_lowered  }
0x19: {  	s7 =	simm.s32 $0x1BFF;
	s22 =	sshll.u32 s6, $0x1;
	s4 =	sadd.s32 s21, s20  }
0x1a: {  	s23 =	simm.s32 $0x0;
	s5 =	sshll.u32 s5, $0x1;
	s6 =	sadd.s32 s22, s4  }
0x1b: {  	[timem:s23], [sflag:s7] =	dma.local [hbm:s6], s5  }
0x1c: {  	_ =	swait.ge [sflag:s7], s5  }
0x1d: {  	s5 =	ssub.s32 $0x0, s5;
	[sflag:s7] =	ssyncset.done $0x0  }
0x1e: {  	[sflag:s7] =	ssyncadd.s32 s5;
	_ =	sdelay $0x1  }
0x1f: {  	s24 =	simm.s32 $0x1B8B  }
0x20: {  	_ =	swait.ge [sflag:s24], $0x1  }
0x21: {  	[sflag:s24] =	ssyncset.done $0x0  }
0x22: {  	[sflag:s24] =	ssyncadd.s32 $0xFFFFFFFF  }
0x23: {  	s5 =	sld [smem:$0x0]  }
0x24: {  	s6 =	sand.u32 $0xFFFFFFFE, s1  }
0x25: {  	p0 =	sne.s32 s1, s6  }
0x26: {  	s6 =	sshll.u32 @p0 s6, $0xE  }
0x27: {  	s6 =	sadd.s32 @p0 $0x11B8D, s6;
	s7 =	sshll.u32 @p0 s5, $0x11  }
0x28: {  	s6 =	sor.u32 @p0 s7, s6  }
0x29: {  	[sflag:s6] =	ssyncadd.remote.s32 @p0 $0x1;
	_ =	sdelay $0x1  }
0x2a: {  	s6 =	simm.s32 @p0 $0x1B8D  }
0x2b: {  	_ =	swait.eq @p0 [sflag:s6], $0x1  }
0x2c: {  	[sflag:s6] =	ssyncadd.s32 @p0 $0xFFFFFFFF  }
0x2d: {  	s7 =	sshll.u32 @!p0 s1, $0xE  }
0x2e: {  	s7 =	sor.u32 @!p0 $0x4000, s7;
	s6 =	simm.s32 @!p0 $0x1B8D  }
0x2f: {  	s5 =	sshll.u32 @!p0 s5, $0x11;
	s7 =	sadd.s32 @!p0 $0x11B8D, s7;
	_ =	swait.eq @!p0 [sflag:s6], $0x1  }
0x30: {  	s5 =	sor.u32 @!p0 s5, s7;
	[sflag:s6] =	ssyncadd.s32 @!p0 $0xFFFFFFFF  }
0x31: {  	s26 =	simm.s32 $0x1B8E;
	s25 =	sld [smem:$0x3FFE];
	[sflag:s5] =	ssyncadd.remote.s32 @!p0 $0x1  }
0x32: {  	s27 =	simm.s32 $execute0_lowered;
	[smem:$0x3FD2] =	sst s26  }
0x33: {  	s6 =	sshll.u32 s27, $0x1;
	_ =	strace $0x80000052;
	[dreg:$0x1] =	wrdreg $0xFFFFFFFF  }
0x34: {  	s28 =	simm.s32 $_size_execute0_lowered;
	s4 =	sadd.s32 s4, s6;
	[dreg:$0x0] =	wrdreg $0x0  }
0x35: {  	s6 =	sshll.u32 s28, $0x1;
	[dreg:$0x2] =	wrdreg s4  }
0x36: {  	[dreg:$0x3] =	wrdreg s6  }
0x37: {  	[dreg:$0x4] =	wrdreg $0xC0  }
0x38: {  	_ =	task [dreg:s23], $0x5FFFF  }
0x39: {  	[dreg:$0x1] =	wrdreg $0xFFFFFFFF  }
0x3a: {  	[dreg:$0x0] =	wrdreg $0x60  }
0x3b: {  	[dreg:$0x2] =	wrdreg s25  }
0x3c: {  	[dreg:$0x3] =	wrdreg s18  }
0x3d: {  	[dreg:$0x4] =	wrdreg $0xB  }
0x3e: {  	_ =	task.clear_ibuf [dreg:s23], $0x5FFFF;
	_ =	strace $0x90000052  }
0x3f: {  	s29 =	simm.s32 $0xB;
	_ =	strace $0x80000054  }
0x40: {  	_ =	swait.ge [sflag:s29], $0x1  }
0x41: {  	[sflag:s29] =	ssyncadd.s32 $0xFFFFFFFF  }
0x42: {  	_ =	strace $0x90000054  }
0x43: {  	_ =	sfence  }
0x44: {  	s30 =	sld [smem:$0x0];
	_ =	sdelay $0x2  }
0x45: {  	s31 =	sshll.u32 s1, $0xD;
	s1 =	sshrl.u32 s1, $0x2  }
0x46: {  	s4 =	sand.u32 $0x4000, s31;
	s1 =	sadd.s32 s1, s30  }
0x47: {  	s0 =	sor.u32 s4, s0;
	s1 =	sshll.u32 s1, $0x11  }
0x48: {  	s0 =	sor.u32 s1, s0  }
0x49: {  	s0 =	sadd.s32 $0x8F2B, s0  }
0x4a: {  	[sflag:s0] =	ssyncadd.remote.s32 $0x1  }
0x4b: {  	_ =	sfence.sel $0xFFFF  }
0x4c: {  	[dreg:$0x0] =	wrdreg $0xFFFFFFFF;
	(pc) =	sbr.abs _section_cstart, $3  }
0x4d: {  	[dreg:$0x1] =	wrdreg $0xFFFFFFFF  }
0x4e: {  	_ =	task.clear_ibuf [dreg:s23], $0x2FFFF;
	_ =	strace $0x9FFFFFFF  }
0x4f: {  	(tm) =	ssettm $0x7FFFFFFF  }
tec
execute0_lowered:
.L_overlay_start_1:
0x0: {  	(tag) =	ssettag $0x1  }
0x1: {  	s1 =	rddreg [dreg:$0x0]  }
0x2: {  	s2 =	rddreg [dreg:$0x1]  }
0x3: {  	s0 =	rddreg [dreg:$0x2]  }
0x4: {  	s4 =	srdreg.scid;
	_ =	strace $0x80000053;
	s6 =	simm.s32 $0x2  }
0x5: {  	s19 =	simm.s32 $0x0;
	p0 =	por $0x0, $0x0;
	s16 =	simm.s32 $0x0  }
0x6: {  	s17 =	simm.s32 $0x0;
	s18 =	simm.s32 $0x0;
	s7 =	simm.s32 $0x0  }
0x7: {  	s8 =	simm.s32 $0x0;
	s10 =	simm.s32 $0x0;
	s11 =	simm.s32 $0x0  }
.Ltmp0:
0x8: {  	s12 =	simm.s32 $0x0;
	s13 =	simm.s32 $0x0;
	(pc) =	sbr.rel .LBB1_1-.Ltmp0, $4  }
0x9: {  	s15 =	simm.s32 $0x0;
	s3 =	sadd.s32 $0xA62CA00, s1;
	s4 =	sshll.u32 s4, $0x4  }
0xa: {  	s1 =	stileid.u32;
	s5 =	sand.u32 $0x10, s4;
	s4 =	simm.s32 $0x1  }
0xb: {  	s9 =	simm.s32 $0x0;
	s5 =	sor.u32 s1, s5;
	[sflag:s4] =	ssyncpa.u1 $0x0  }
0xc: {  	[sflag:s6] =	ssyncpa.u1 $0x0;
	s6 =	simm.s32 $0x280000;
	s14 =	smov.u32 s5  }
.LBB1_5:
0xd: {  	p1 =	slt.u32 s9, $0x2  }
0xe: {  	s20 =	smov.u32 s19;
	p2 =	sgt.s32 @!p1 s19, $0x48  }
0xf: {  	s21 =	sshra.s32 @!p1 s19, $0x1F;
	s22 =	sshra.s32 @!p1 s18, $0x1F;
	p4 =	sgt.s32 @!p1 s16, $0xF80  }
0x10: {  	p2 =	por !p2, p1;
	s19 =	sand.u32 @!p1 s21, s19;
	s21 =	smov.u32 s18  }
0x11: {  	p4 =	por !p4, p1;
	s20 =	simm.s32 @p2 $0x48;
	p2 =	sgt.s32 @!p1 s18, $0x9  }
0x12: {  	s18 =	sand.u32 @!p1 s22, s18;
	s22 =	smov.u32 s16;
	s19 =	ssub.s32 @!p1 s20, s19  }
0x13: {  	p2 =	por !p2, p1;
	s22 =	simm.s32 @p4 $0xF80;
	s20 =	sadd.s32 @!p1 $0xFFFFFFB8, s19  }
0x14: {  	s21 =	simm.s32 @p2 $0x9;
	s19 =	ssub.s32 @!p1 $0xC8, s19;
	p3 =	sgt.s32 @!p1 s20, $0x7F  }
0x15: {  	s18 =	ssub.s32 @!p1 s21, s18;
	s21 =	sshra.s32 @!p1 s17, $0x1F;
	p2 =	por !p3, p1  }
0x16: {  	s20 =	sadd.s32 @!p1 $0xFFFFFFF7, s18;
	p3 =	sgt.s32 @!p1 s17, $0x3F;
	s19 =	simm.s32 @!p2 $0x0  }
0x17: {  	p2 =	sgt.s32 @!p1 s20, $0x0;
	p3 =	por !p3, p1;
	s20 =	smov.u32 s17  }
0x18: {  	s18 =	ssub.s32 @!p1 $0xA, s18;
	s17 =	sand.u32 @!p1 s21, s17;
	s20 =	simm.s32 @p3 $0x3F  }
0x19: {  	s21 =	smov.u32 s13;
	s17 =	ssub.s32 @!p1 s20, s17;
	s20 =	sshra.s32 @!p1 s16, $0x1F  }
0x1a: {  	p2 =	por !p2, p1;
	s16 =	sand.u32 @!p1 s20, s16;
	s20 =	sadd.s32 @!p1 $0xFFFFFFC1, s17  }
0x1b: {  	s18 =	simm.s32 @!p2 $0x0;
	p2 =	sgt.s32 @!p1 s20, $0x0;
	s16 =	ssub.s32 @!p1 s22, s16  }
0x1c: {  	s17 =	ssub.s32 @!p1 $0x40, s17;
	p2 =	por !p2, p1;
	s20 =	sadd.s32 @!p1 $0xFFFFF080, s16  }
0x1d: {  	s16 =	ssub.s32 @!p1 $0x1000, s16;
	s17 =	simm.s32 @!p2 $0x0;
	p2 =	sgt.s32 @!p1 s20, $0x7F  }
0x1e: {  	s20 =	sadd.s32 $0x80, s12;
	p2 =	por !p2, p1;
	s17 =	smul.u32 @!p1 s18, s17  }
0x1f: {  	s18 =	sadd.s32 $0x80, s13;
	s16 =	simm.s32 @!p2 $0x0;
	p2 =	sgt.s32 s20, $0xC7  }
0x20: {  	s22 =	smov.u32 s14;
	s16 =	smul.u32 @!p1 s16, s17;
	s21 =	smov.u32 @p2 s18  }
0x21: {  	s20 =	simm.s32 @p2 $0x0;
	s17 =	sadd.s32 $0x20, s14;
	p2 =	sgt.s32 s21, $0xFFF  }
0x22: {  	s9 =	sadd.s32 $0x1, s9;
	s22 =	smov.u32 @p2 s17  }
0x23: {  	s21 =	simm.s32 @p2 $0x0;
	s17 =	simm.s32 $0x1;
	p2 =	sgt.s32 s22, $0x3F  }
0x24: {  	p0 =	por !p0, !p0;
	s23 =	simm.s32 @!p1 $0x2;
	s17 =	simm.s32 @!p2 $0x0  }
0x25: {  	s18 =	smov.u32 s11;
	s11 =	smov.u32 s15;
	s25 =	sadd.s32 s17, s15  }
0x26: {  	s16 =	smul.u32 @!p1 s19, s16;
	s22 =	smov.u32 @p2 s5;
	p2 =	sgt.s32 s25, $0x9  }
0x27: {  	s19 =	smov.u32 s7;
	s25 =	simm.s32 @p2 $0x0;
	p2 =	sne.s32 s9, $0x502  }
.Ltmp1:
0x28: {  	s7 =	smov.u32 s12;
	s16 =	sand.u32 @!p1 $0x3FFFFFFF, s16;
	(pc) =	sbr.rel @!p2 .LBB1_6-.Ltmp1, $4  }
0x29: {  	s12 =	smov.u32 s20;
	_ =	swait.ge @!p1 [sflag:s23], s16;
	s24 =	ssub.s32 @!p1 $0x0, s16  }
0x2a: {  	s16 =	smov.u32 s8;
	s17 =	smov.u32 s10;
	s8 =	smov.u32 s13  }
0x2b: {  	s10 =	smov.u32 s14;
	s13 =	smov.u32 s21;
	[sflag:s23] =	ssyncset.done @!p1 $0x0  }
0x2c: {  	s14 =	smov.u32 s22;
	[sflag:s23] =	ssyncadd.s32 @!p1 s24;
	s15 =	smov.u32 s25  }
.LBB1_1:
0x2d: {  	p1 =	sgt.u32 s9, $0x4FF  }
0x2e: {  	s20 =	sxor.u32 @!p1 $0xFFFFFFFF, s9;
	s21 =	sand.u32 @!p1 $0x78, s12;
	s22 =	sshll.u32 @!p1 s13, $0x8  }
0x2f: {  	s23 =	sshll.u32 @!p1 s12, $0x3;
	s24 =	sshll.u32 @!p1 s13, $0x7;
	s20 =	sshll.u32 @!p1 s20, $0xE  }
0x30: {  	s22 =	sand.u32 @!p1 $0xFF800, s22;
	s23 =	sand.u32 @!p1 $0xFFC00, s23;
	s20 =	sand.u32 @!p1 $0x4000, s20  }
0x31: {  	s22 =	sadd.s32 @!p1 s22, s23;
	s23 =	sand.u32 @!p1 $0x300, s24;
	s24 =	sand.u32 @!p1 $0x80, s24  }
0x32: {  	s22 =	sor.u32 @!p1 s23, s22;
	s21 =	sor.u32 @!p1 s21, s24;
	s23 =	sshll.u32 @!p1 s15, $0x17  }
0x33: {  	s24 =	sshll.u32 @!p1 s14, $0x11;
	s22 =	sshrl.u32 @!p1 s22, $0x3;
	s23 =	sadd.s32 @!p1 s3, s23  }
0x34: {  	s21 =	sshrl.u32 @!p1 s21, $0x3;
	s23 =	sadd.s32 @!p1 s24, s23;
	s24 =	sand.u32 @!p1 $0x7, s12  }
0x35: {  	s22 =	sand.u32 @!p1 $0x1FFE0, s22;
	s21 =	sadd.s32 @!p1 s21, s23;
	s23 =	sshll.u32 @!p1 s24, $0x12  }
0x36: {  	s21 =	sadd.s32 @!p1 s22, s21;
	s22 =	sor.u32 @!p1 $0x400, s23;
	s23 =	simm.s32 @!p1 $0x800  }
0x37: {  	[tilespmem:s20], [sflag:$0x1] =	stream.strided.gather @!p1 [hbm4b:s21+s22], $0x4000, s23, s22, $0x38;
	[tilespmem:$0x10100] =	vst v63  }
0x38: {  	p1 =	seq.s32 s9, $0x0  }
0x39: {  	p2 =	seq.s32 @!p1 s9, $0x501  }
0x3a: {  	p1 =	por p1, p2  }
.Ltmp2:
0x3b: {  	_ = 	snop;
	(pc) =	sbr.rel @p1 .LBB1_5-.Ltmp2, $1  }
0x3c: {  	_ =	sdelay $0x3  }
0x3d: {  	s20 =	simm.s32 $0x1  }
0x3e: {  	_ =	swait.ge [sflag:s4], $0x4000;
	s20 =	simm.s32 @!p0 $0x0  }
0x3f: {  	[sflag:s4] =	ssyncset.done $0x0;
	s21 =	sshll.u32 s20, $0xE  }
0x40: {  	[sflag:s4] =	ssyncadd.s32 $0xFFFFC000;
	s21 =	sor.u32 $0x40, s21  }
0x41: {  	s20 =	smul.u32 $0x10200, s20;
	v0 =	vld [tilespmem:s21+$0x30]  }
0x42: {  	v1 =	vld [tilespmem:s21+$0xFFFFFFD0]  }
0x43: {  	s20 =	sshrl.u32 s20, $0x2;
	v5 =	vld [tilespmem:s21+$0xFFFFFFE0]  }
0x44: {  	v6 =	vld [tilespmem:s21+$0xFFFFFFF0];
	s23 =	sor.u32 $0x8000, s20  }
0x45: {  	s31 =	sand.u32 $0x1, s9;
	v4 =	vld [tilespmem:s21+$0x0];
	s22 =	sadd.s32 $0x0, s23  }
0x46: {  	v3 =	vld [tilespmem:s21+$0x10];
	s20 =	smul.u32 $0x10200, s31;
	[tilespmem:s22+$0x3870 ss:$0x81] =	vst.msk $0xffff, v0  }
0x47: {  	v2 =	vld [tilespmem:s21+$0x20];
	[tilespmem:s22+$0x810 ss:$0x81] =	vst.msk $0xffff, v1  }
0x48: {  	s20 =	sshrl.u32 s20, $0x2;
	v1 =	vld [tilespmem:s21+$0xFFFFFFC0];
	[tilespmem:s22+$0x1020 ss:$0x81] =	vst.msk $0xffff, v5;
	s21 =	sadd.s32 $0x80, s21  }
0x49: {  	s24 =	simm.s32 $0x4;
	s25 =	simm.s32 $0x8;
	s20 =	sor.u32 $0x8000, s20;
	[tilespmem:s22+$0x1830 ss:$0x81] =	vst.msk $0xffff, v6;
	v0 =	vld [tilespmem:s21+$0x30]  }
.LBB1_3:
0x4a: {  	p1 =	sne.s32 s25, $0x1FC;
	v5 =	vld [tilespmem:s21+$0xFFFFFFD0];
	[tilespmem:s22+$0x2040 ss:$0x81] =	vst.msk $0xffff, v4  }
0x4b: {  	v6 =	vld [tilespmem:s21+$0xFFFFFFE0];
	[tilespmem:s22+$0x2850 ss:$0x81] =	vst.msk $0xffff, v3  }
0x4c: {  	s26 =	sshra.s32 s24, $0x2;
	s24 =	smov.u32 s25;
	v7 =	vld [tilespmem:s21+$0xFFFFFFF0];
	[tilespmem:s22+$0x3060 ss:$0x81] =	vst.msk $0xffff, v2  }
.Ltmp3:
0x4d: {  	v4 =	vld [tilespmem:s21+$0x0];
	[tilespmem:s22+$0x0 ss:$0x81] =	vst.msk $0xffff, v1;
	s22 =	sadd.s32 s26, s23;
	(pc) =	sbr.rel @p1 .LBB1_3-.Ltmp3, $4  }
0x4e: {  	v3 =	vld [tilespmem:s21+$0x10];
	[tilespmem:s22+$0x3870 ss:$0x81] =	vst.msk $0xffff, v0  }
0x4f: {  	[tilespmem:s22+$0x810 ss:$0x81] =	vst.msk $0xffff, v5;
	v2 =	vld [tilespmem:s21+$0x20]  }
0x50: {  	v1 =	vld [tilespmem:s21+$0xFFFFFFC0];
	[tilespmem:s22+$0x1020 ss:$0x81] =	vst.msk $0xffff, v6;
	s21 =	sadd.s32 $0x80, s21  }
0x51: {  	s25 =	sadd.s32 $0x4, s25;
	v0 =	vld [tilespmem:s21+$0x30];
	[tilespmem:s22+$0x1830 ss:$0x81] =	vst.msk $0xffff, v7  }
0x52: {  	s24 =	sshra.s32 s24, $0x2;
	s29 =	sshll.u32 s10, $0x7;
	p1 =	sgt.s32 s7, $0x48  }
0x53: {  	s25 =	smov.u32 s7;
	s26 =	sand.u32 $0x78, s8;
	s27 =	sshra.s32 s7, $0x1F;
	v5 =	vld [tilespmem:s21+$0xFFFFFFD0]  }
0x54: {  	s28 =	smov.u32 s11;
	s31 =	sshra.s32 s10, $0x1F;
	v58 =	vld [tilespmem:s21+$0xFFFFFFE0];
	s23 =	sadd.s32 s24, s23  }
0x55: {  	v59 =	vld [tilespmem:s21+$0xFFFFFFF0];
	s24 =	sand.u32 $0x380, s29;
	s25 =	simm.s32 @!p1 $0x48;
	p1 =	sgt.s32 s11, $0x9  }
0x56: {  	v60 =	vld [tilespmem:s21+$0x0];
	s29 =	sshra.s32 s11, $0x1F;
	s27 =	sand.u32 s27, s7;
	s28 =	simm.s32 @!p1 $0x9  }
0x57: {  	v61 =	vld [tilespmem:s21+$0x10];
	s29 =	sand.u32 s29, s11;
	s24 =	sor.u32 s24, s26;
	s25 =	ssub.s32 s25, s27  }
0x58: {  	v62 =	vld [tilespmem:s21+$0x20];
	p1 =	sgt.s32 s10, $0x3F;
	s26 =	ssub.s32 s28, s29;
	s28 =	smov.u32 s10  }
0x59: {  	v63 =	vld [tilespmem:s21+$0xFFFFFFC0];
	s29 =	sand.u32 s31, s10;
	s21 =	ssub.s32 $0xC8, s25;
	s30 =	sadd.s32 $0xFFFFFFF7, s26  }
0x5a: {  	s28 =	simm.s32 @!p1 $0x3F;
	p1 =	sgt.s32 s8, $0xF80;
	p2 =	sgt.s32 s30, $0x0  }
0x5b: {  	s27 =	ssub.s32 s28, s29;
	s28 =	smov.u32 s8;
	s30 =	sshra.s32 s8, $0x1F  }
0x5c: {  	s26 =	ssub.s32 $0xA, s26;
	s28 =	simm.s32 @!p1 $0xF80;
	s29 =	sand.u32 s30, s8  }
0x5d: {  	[tilespmem:s22+$0x2040 ss:$0x81] =	vst.msk $0xffff, v4;
	s26 =	simm.s32 @p2 $0x0;
	s31 =	sadd.s32 $0xFFFFFFC1, s27;
	s27 =	ssub.s32 $0x40, s27  }
0x5e: {  	[tilespmem:s22+$0x2850 ss:$0x81] =	vst.msk $0xffff, v3;
	s28 =	ssub.s32 s28, s29;
	p1 =	sgt.s32 s31, $0x0;
	s31 =	sshll.u32 s10, $0xC  }
0x5f: {  	[tilespmem:s22+$0x3060 ss:$0x81] =	vst.msk $0xffff, v2;
	s30 =	sadd.s32 $0xFFFFF080, s28;
	s27 =	simm.s32 @p1 $0x0;
	s29 =	sand.u32 $0x38000, s31  }
0x60: {  	[tilespmem:s22+$0x0 ss:$0x81] =	vst.msk $0xffff, v1;
	s28 =	ssub.s32 $0x1000, s28;
	p1 =	sgt.s32 s30, $0x7F;
	s30 =	sshll.u32 s8, $0x3  }
0x61: {  	[tilespmem:s23+$0x3870 ss:$0x81] =	vst.msk $0xffff, v0;
	s31 =	sadd.s32 $0xFFFFFFB8, s25;
	s26 =	smul.u32 s26, s27;
	s22 =	sadd.s32 s29, s30  }
0x62: {  	[tilespmem:s23+$0x810 ss:$0x81] =	vst.msk $0xffff, v5;
	s27 =	sand.u32 $0xC00, s30;
	s28 =	simm.s32 @p1 $0x0;
	p1 =	sgt.s32 s31, $0x7F  }
0x63: {  	[tilespmem:s23+$0x1020 ss:$0x81] =	vst.msk $0xffff, v58;
	s30 =	smul.u32 $0x50000, s7;
	s31 =	sshll.u32 s11, $0xF;
	s24 =	sor.u32 s27, s24  }
0x64: {  	[tilespmem:s23+$0x1830 ss:$0x81] =	vst.msk $0xffff, v59;
	s29 =	smul.u32 s28, s26;
	s21 =	simm.s32 @p1 $0x0;
	s22 =	sshrl.u32 s22, $0x3  }
.Ltmp4:
0x65: {  	[tilespmem:s23+$0x2040 ss:$0x81] =	vst.msk $0xffff, v60;
	s28 =	sadd.s32 s2, s31;
	s22 =	sand.u32 $0x7E00, s22;
	(pc) =	sbr.rel .LBB1_5-.Ltmp4, $4  }
0x66: {  	[tilespmem:s23+$0x2850 ss:$0x81] =	vst.msk $0xffff, v61;
	s25 =	sadd.s32 s30, s28;
	s21 =	smul.u32 s21, s29;
	s29 =	sand.u32 $0x7, s8  }
0x67: {  	[tilespmem:s23+$0x3060 ss:$0x81] =	vst.msk $0xffff, v62;
	s24 =	sshrl.u32 s24, $0x3;
	s22 =	sadd.s32 s22, s25;
	s30 =	sshll.u32 s29, $0x12  }
0x68: {  	[tilespmem:s23+$0x0 ss:$0x81] =	vst.msk $0xffff, v63;
	s22 =	sadd.s32 s24, s22;
	s21 =	sand.u32 $0x3FFFFFFF, s21;
	s31 =	sor.u32 $0x80, s30  }
0x69: {  	[hbm4b:s22+s31] =	stream.strided.scatter [tilespmem:s20], [sflag:$0x2], s21, s6, s31, $0x20;
	[tilespmem:$0x10100] =	vst v63  }
.LBB1_6:
0x6a: {  	_ =	sfence.sel $0x180000  }
0x6b: {  	s2 =	simm.s32 $0x1;
	[bflag:$0x0] =	sbarrier.arrive $0xFFFF  }
0x6c: {  	s31 =	simm.s32 $0x2;
	[sflag:s2] =	ssyncpa.u1 $0x1  }
0x6d: {  	[sflag:s31] =	ssyncpa.u1 $0x1  }
0x6e: {  	p0 =	sne.s32 s1, $0x0;
	_ =	strace $0x90000053  }
0x6f: {  	s0 =	sadd.s32 @!p0 $0x100000, s0;
	[bflag:$0x2] =	sbarrier.arrive $0xFFFF  }
0x70: {  	[sflag:s0] =	ssyncadd.tile.s32 @!p0 $0x1;
	_ =	shalt  }
.Lfunc_end1:
_tile_overlayer_lowered:
.L_overlay_start_2:
0x71: {  	(tag) =	ssettag $0x2  }
0x72: {  	s0 =	rddreg [dreg:$0x0];
	s2 =	stileid.u32  }
0x73: {  	s1 =	rddreg [dreg:$0x1];
	p0 =	sne.s32 s2, $0x0  }
0x74: {  	s3 =	rddreg [dreg:$0x2];
	[bflag:$0x3] =	sbarrier.arrive $0xFFFF;
	s2 =	simm.s32 @!p0 $0x1C01  }
0x75: {  	[timem:s3], [sflag:s2] =	dma.local @!p0 [hbm:s0], s1  }
0x76: {  	s0 =	simm.s32 @!p0 $0x1  }
0x77: {  	_ =	swait.ge @!p0 [sflag:s0], s1  }
0x78: {  	s1 =	ssub.s32 @!p0 $0x0, s1;
	[sflag:s0] =	ssyncset.done @!p0 $0x0  }
0x79: {  	[sflag:s0] =	ssyncadd.s32 @!p0 s1  }
0x7a: {  	[bflag:$0x3] =	sbarrier.arrive $0xFFFF  }
0x7b: {  	_ =	shalt  }

// kernel: sparse-core-data-format-call.cloned.1.call-start
scs
called_computation_lowered:
.L_overlay_start_0:
0x0: {  	s2 =	sld [smem:$0x3FD9]  }
0x1: {  	s3 =	sld [smem:$0x3FFE];
	_ =	sdelay $0x1  }
0x2: {  	s1 =	srdreg.scid  }
0x3: {  	s0 =	sand.u32 $0x1, s1  }
0x4: {  	s16 =	sshll.u32 s0, $0xA;
	s2 =	sadd.s32 s3, s2  }
0x5: {  	s2 =	sadd.s32 s2, s16  }
0x6: {  	[smem:$0x3FB3] =	sst s2  }
0x7: {  	_ = 	snop  }
0x8: {  	s2 =	sld [smem:$0x3FD0];
	_ =	sdelay $0x2  }
0x9: {  	s17 =	simm.s32 $0xC;
	s4 =	simm.s32 $0x10  }
0xa: {  	[smem:s4], [sflag:s17] =	dma.local [hbm:s2], $0x1  }
0xb: {  	_ =	swait.eq [sflag:s17], $0x1  }
0xc: {  	[sflag:s17] =	ssyncset.done $0x0  }
0xd: {  	[sflag:s17] =	ssyncadd.s32 $0xFFFFFFFF  }
0xe: {  	s18 =	sld [smem:$0x13];
	(tm) =	ssettm $0x1  }
0xf: {  	s19 =	sld [smem:$0x3FFB];
	_ =	sdelay $0x3  }
0x10: {  	_ =	strace s19  }
0x11: {  	s2 =	sld [smem:$0x3FFC];
	_ =	sdelay $0x3  }
0x12: {  	_ =	strace s2  }
0x13: {  	s2 =	sld [smem:$0x3FFD];
	_ =	sdelay $0x3  }
0x14: {  	_ =	strace s2  }
0x15: {  	_ =	strace $0x8FFFFFFF  }
0x16: {  	s20 =	sld [smem:$0x3FDB];
	_ =	sdelay $0x1  }
0x17: {  	s21 =	simm.s32 $_scs_section_size  }
0x18: {  	s5 =	simm.s32 $_size__tile_overlayer_lowered;
	s6 =	simm.s32 $_tile_overlayer_lowered  }
0x19: {  	s7 =	simm.s32 $0x1BFF;
	s22 =	sshll.u32 s6, $0x1;
	s4 =	sadd.s32 s21, s20  }
0x1a: {  	s23 =	simm.s32 $0x0;
	s5 =	sshll.u32 s5, $0x1;
	s6 =	sadd.s32 s22, s4  }
0x1b: {  	[timem:s23], [sflag:s7] =	dma.local [hbm:s6], s5  }
0x1c: {  	_ =	swait.ge [sflag:s7], s5  }
0x1d: {  	s5 =	ssub.s32 $0x0, s5;
	[sflag:s7] =	ssyncset.done $0x0  }
0x1e: {  	[sflag:s7] =	ssyncadd.s32 s5;
	_ =	sdelay $0x1  }
0x1f: {  	s24 =	simm.s32 $0x1B8B  }
0x20: {  	_ =	swait.ge [sflag:s24], $0x1  }
0x21: {  	[sflag:s24] =	ssyncset.done $0x0  }
0x22: {  	[sflag:s24] =	ssyncadd.s32 $0xFFFFFFFF  }
0x23: {  	s5 =	sld [smem:$0x0]  }
0x24: {  	s6 =	sand.u32 $0xFFFFFFFE, s1  }
0x25: {  	p0 =	sne.s32 s1, s6  }
0x26: {  	s6 =	sshll.u32 @p0 s6, $0xE  }
0x27: {  	s6 =	sadd.s32 @p0 $0x11B8D, s6;
	s7 =	sshll.u32 @p0 s5, $0x11  }
0x28: {  	s6 =	sor.u32 @p0 s7, s6  }
0x29: {  	[sflag:s6] =	ssyncadd.remote.s32 @p0 $0x1;
	_ =	sdelay $0x1  }
0x2a: {  	s6 =	simm.s32 @p0 $0x1B8D  }
0x2b: {  	_ =	swait.eq @p0 [sflag:s6], $0x1  }
0x2c: {  	[sflag:s6] =	ssyncadd.s32 @p0 $0xFFFFFFFF  }
0x2d: {  	s7 =	sshll.u32 @!p0 s1, $0xE  }
0x2e: {  	s7 =	sor.u32 @!p0 $0x4000, s7;
	s6 =	simm.s32 @!p0 $0x1B8D  }
0x2f: {  	s5 =	sshll.u32 @!p0 s5, $0x11;
	s7 =	sadd.s32 @!p0 $0x11B8D, s7;
	_ =	swait.eq @!p0 [sflag:s6], $0x1  }
0x30: {  	s5 =	sor.u32 @!p0 s5, s7;
	[sflag:s6] =	ssyncadd.s32 @!p0 $0xFFFFFFFF  }
0x31: {  	s26 =	simm.s32 $0x1B8E;
	s25 =	sld [smem:$0x3FFE];
	[sflag:s5] =	ssyncadd.remote.s32 @!p0 $0x1  }
0x32: {  	s27 =	simm.s32 $execute0_lowered;
	[smem:$0x3FD2] =	sst s26  }
0x33: {  	s6 =	sshll.u32 s27, $0x1;
	_ =	strace $0x8000004C;
	[dreg:$0x1] =	wrdreg $0xFFFFFFFF  }
0x34: {  	s28 =	simm.s32 $_size_execute0_lowered;
	s4 =	sadd.s32 s4, s6;
	[dreg:$0x0] =	wrdreg $0x0  }
0x35: {  	s6 =	sshll.u32 s28, $0x1;
	[dreg:$0x2] =	wrdreg s4  }
0x36: {  	[dreg:$0x3] =	wrdreg s6  }
0x37: {  	[dreg:$0x4] =	wrdreg $0xC0  }
0x38: {  	_ =	task [dreg:s23], $0x5FFFF  }
0x39: {  	[dreg:$0x1] =	wrdreg $0xFFFFFFFF  }
0x3a: {  	[dreg:$0x0] =	wrdreg $0x60  }
0x3b: {  	[dreg:$0x2] =	wrdreg s25  }
0x3c: {  	[dreg:$0x3] =	wrdreg s18  }
0x3d: {  	[dreg:$0x4] =	wrdreg $0x9  }
0x3e: {  	_ =	task.clear_ibuf [dreg:s23], $0x5FFFF;
	_ =	strace $0x9000004C  }
0x3f: {  	s29 =	simm.s32 $0x9;
	_ =	strace $0x8000004E  }
0x40: {  	_ =	swait.ge [sflag:s29], $0x1  }
0x41: {  	[sflag:s29] =	ssyncadd.s32 $0xFFFFFFFF  }
0x42: {  	_ =	strace $0x9000004E  }
0x43: {  	_ =	sfence  }
0x44: {  	s30 =	sld [smem:$0x0];
	_ =	sdelay $0x2  }
0x45: {  	s31 =	sshll.u32 s1, $0xD;
	s1 =	sshrl.u32 s1, $0x2  }
0x46: {  	s4 =	sand.u32 $0x4000, s31;
	s1 =	sadd.s32 s1, s30  }
0x47: {  	s0 =	sor.u32 s4, s0;
	s1 =	sshll.u32 s1, $0x11  }
0x48: {  	s0 =	sor.u32 s1, s0  }
0x49: {  	s0 =	sadd.s32 $0x8F2B, s0  }
0x4a: {  	[sflag:s0] =	ssyncadd.remote.s32 $0x1  }
0x4b: {  	_ =	sfence.sel $0xFFFF  }
0x4c: {  	[dreg:$0x0] =	wrdreg $0xFFFFFFFF;
	(pc) =	sbr.abs _section_cstart, $3  }
0x4d: {  	[dreg:$0x1] =	wrdreg $0xFFFFFFFF  }
0x4e: {  	_ =	task.clear_ibuf [dreg:s23], $0x2FFFF;
	_ =	strace $0x9FFFFFFF  }
0x4f: {  	(tm) =	ssettm $0x7FFFFFFF  }
tec
execute0_lowered:
.L_overlay_start_1:
0x0: {  	(tag) =	ssettag $0x1  }
0x1: {  	s0 =	srdreg.scid  }
0x2: {  	s1 =	sshll.u32 s0, $0x4  }
0x3: {  	s0 =	stileid.u32;
	s1 =	sand.u32 $0x10, s1  }
0x4: {  	s1 =	sor.u32 s0, s1  }
0x5: {  	s6 =	rddreg [dreg:$0x0];
	s4 =	simm.s32 $0x1;
	s2 =	sshll.u32 s1, $0x7  }
0x6: {  	s7 =	simm.s32 $0x2;
	s12 =	simm.s32 $0x0;
	s1 =	ssub.s32 $0x1000, s2  }
0x7: {  	s8 =	simm.s32 $0x8000;
	s13 =	simm.s32 $0x0;
	s3 =	sand.u32 $0xF80, s1  }
0x8: {  	s9 =	simm.s32 $0x0;
	s5 =	sshrl.u32 s1, $0xC;
	p0 =	sne.s32 s3, $0x0  }
.Ltmp0:
0x9: {  	s1 =	rddreg [dreg:$0x2];
	s4 =	simm.s32 @!p0 $0x0;
	(pc) =	sbr.rel .LBB1_1-.Ltmp0, $4  }
0xa: {  	s11 =	simm.s32 $0x0;
	s3 =	rddreg [dreg:$0x1];
	s5 =	sadd.s32 s4, s5  }
0xb: {  	_ =	strace $0x8000004D;
	s4 =	simm.s32 $0x1;
	s5 =	smul.u32 $0xC8, s5  }
0xc: {  	s6 =	sadd.s32 $0x51ACA00, s6;
	s10 =	smov.u32 s2;
	[sflag:s4] =	ssyncpa.u1 $0x0  }
0xd: {  	p0 =	por $0x0, $0x0;
	[sflag:s7] =	ssyncpa.u1 $0x0;
	s7 =	sor.u32 $0x1, s5  }
.LBB1_4:
0xe: {  	s16 =	sshll.u32 s13, $0x3;
	s17 =	sand.u32 $0x78, s13  }
0xf: {  	s30 =	sand.u32 $0x7E00, s13;
	s12 =	sshll.u32 s12, $0xF;
	s16 =	sand.u32 $0xC00, s16  }
0x10: {  	[tilespmem:s15+$0x810 ss:$0x81] =	vst.msk $0xffff, v2;
	s31 =	sand.u32 $0x7, s13;
	s16 =	sor.u32 s17, s16;
	s17 =	sadd.s32 s3, s30  }
0x11: {  	[tilespmem:s15+$0x1020 ss:$0x81] =	vst.msk $0xffff, v0;
	s13 =	sshll.u32 s31, $0x12;
	s12 =	sadd.s32 s12, s17;
	s16 =	sshrl.u32 s16, $0x3  }
0x12: {  	[tilespmem:s15+$0x0 ss:$0x81] =	vst.msk $0xffff, v1;
	s13 =	sor.u32 $0x400, s13;
	s12 =	sadd.s32 s16, s12  }
0x13: {  	[hbm4b:s12+s13] =	stream.strided.scatter [tilespmem:s14], [sflag:$0x2], $0x2000, s8, s13, $0x20;
	[tilespmem:$0x8080] =	vst v63  }
.LBB1_5:
0x14: {  	s14 =	sadd.s32 $0x1, s9  }
0x15: {  	s12 =	sadd.s32 $0x1000, s10;
	s16 =	smov.u32 s10;
	p2 =	sgt.s32 s14, $0xC7  }
0x16: {  	s16 =	smov.u32 @p2 s12  }
0x17: {  	s14 =	simm.s32 @p2 $0x0;
	p2 =	sgt.s32 s16, $0xFFF  }
0x18: {  	s16 =	smov.u32 @p2 s2;
	p2 =	sne.s32 s11, s7  }
.Ltmp1:
0x19: {  	p1 =	slt.u32 s11, $0x2;
	(pc) =	sbr.rel @!p2 .LBB1_6-.Ltmp1, $4  }
0x1a: {  	s15 =	simm.s32 @!p1 $0x2  }
0x1b: {  	s13 =	smov.u32 s10;
	p0 =	por !p0, !p0;
	_ =	swait.ge @!p1 [sflag:s15], $0x2000  }
0x1c: {  	s12 =	smov.u32 s9;
	[sflag:s15] =	ssyncset.done @!p1 $0x0;
	s9 =	smov.u32 s14  }
0x1d: {  	s11 =	sadd.s32 $0x1, s11;
	[sflag:s15] =	ssyncadd.s32 @!p1 $0xFFFFE000;
	s10 =	smov.u32 s16  }
.LBB1_1:
0x1e: {  	p1 =	sge.u32 s11, s5  }
0x1f: {  	s14 =	sand.u32 @!p1 $0x1FFFFFF, s9  }
0x20: {  	s15 =	smulhi.u32 @!p1 $0x147AE15, s14;
	_ =	sdelay $0x1  }
0x21: {  	s15 =	smul.u32 @!p1 $0xC8, s15  }
0x22: {  	s16 =	sxor.u32 @!p1 $0xFFFFFFFF, s11;
	s17 =	smul.u32 @!p1 $0xC80, s10  }
0x23: {  	s31 =	sadd.s32 $0xFFFFFFFF, s11;
	s16 =	sshll.u32 @!p1 s16, $0xD;
	s14 =	ssub.s32 @!p1 s14, s15  }
0x24: {  	s15 =	sand.u32 @!p1 $0x2000, s16;
	s16 =	sadd.s32 @!p1 s6, s17;
	s14 =	sshll.u32 @!p1 s14, $0x4  }
0x25: {  	s17 =	simm.s32 @!p1 $0x6400;
	s14 =	sadd.s32 @!p1 s14, s16;
	s16 =	simm.s32 @!p1 $0x40  }
0x26: {  	[tilespmem:s15], [sflag:$0x1] =	stream.strided.gather @!p1 [hbm4b:s14+s16], $0x2000, s17, s16, $0x38;
	[tilespmem:$0x8080] =	vst v63  }
0x27: {  	p1 =	sge.u32 s31, s5  }
.Ltmp2:
0x28: {  	_ = 	snop;
	(pc) =	sbr.rel @p1 .LBB1_5-.Ltmp2, $1  }
0x29: {  	_ =	sdelay $0x3  }
0x2a: {  	s14 =	simm.s32 $0x1  }
0x2b: {  	_ =	swait.ge [sflag:s4], $0x2000;
	s14 =	simm.s32 @!p0 $0x0  }
0x2c: {  	[sflag:s4] =	ssyncset.done $0x0;
	s15 =	sshll.u32 s14, $0xD  }
0x2d: {  	[sflag:s4] =	ssyncadd.s32 $0xFFFFE000;
	s18 =	sor.u32 $0x20, s15  }
0x2e: {  	s14 =	smul.u32 $0x8100, s14;
	v3 =	vld [tilespmem:s18+$0x10]  }
0x2f: {  	s30 =	sand.u32 $0x1, s11;
	v2 =	vld [tilespmem:s18+$0xFFFFFFF0]  }
0x30: {  	s15 =	smul.u32 $0x8100, s30;
	s14 =	sshrl.u32 s14, $0x2;
	v0 =	vld [tilespmem:s18+$0x0]  }
0x31: {  	v1 =	vld [tilespmem:s18+$0xFFFFFFE0];
	s16 =	sor.u32 $0x4000, s14  }
0x32: {  	s31 =	sshrl.u32 s15, $0x2;
	s15 =	sadd.s32 $0x0, s16  }
0x33: {  	s17 =	simm.s32 $0x4;
	s18 =	sadd.s32 $0x40, s18;
	s14 =	sor.u32 $0x4000, s31;
	[tilespmem:s15+$0x1830 ss:$0x81] =	vst.msk $0xffff, v3  }
.LBB1_3:
0x34: {  	v3 =	vld [tilespmem:s18+$0x10];
	p1 =	sne.s32 s17, $0x1FC;
	[tilespmem:s15+$0x810 ss:$0x81] =	vst.msk $0xffff, v2;
	s19 =	smov.u32 s17;
	s17 =	sadd.s32 $0x4, s17  }
.Ltmp3:
0x35: {  	v2 =	vld [tilespmem:s18+$0xFFFFFFF0];
	[tilespmem:s15+$0x1020 ss:$0x81] =	vst.msk $0xffff, v0;
	(pc) =	sbr.rel @p1 .LBB1_3-.Ltmp3, $4  }
0x36: {  	v0 =	vld [tilespmem:s18+$0x0];
	[tilespmem:s15+$0x0 ss:$0x81] =	vst.msk $0xffff, v1  }
0x37: {  	s15 =	sshra.s32 s19, $0x2;
	v1 =	vld [tilespmem:s18+$0xFFFFFFE0]  }
0x38: {  	s15 =	sadd.s32 s15, s16  }
0x39: {  	s18 =	sadd.s32 $0x40, s18;
	[tilespmem:s15+$0x1830 ss:$0x81] =	vst.msk $0xffff, v3  }
.Ltmp4:
0x3a: {  	_ = 	snop;
	(pc) =	sbr.rel .LBB1_4-.Ltmp4, $1  }
0x3b: {  	_ =	sdelay $0x3  }
.LBB1_6:
0x3c: {  	_ =	sfence.sel $0x180000  }
0x3d: {  	s2 =	simm.s32 $0x1;
	[bflag:$0x0] =	sbarrier.arrive $0xFFFF  }
0x3e: {  	s31 =	simm.s32 $0x2;
	[sflag:s2] =	ssyncpa.u1 $0x1  }
0x3f: {  	[sflag:s31] =	ssyncpa.u1 $0x1  }
0x40: {  	p0 =	sne.s32 s0, $0x0;
	_ =	strace $0x9000004D  }
0x41: {  	s0 =	sadd.s32 @!p0 $0x100000, s1;
	[bflag:$0x2] =	sbarrier.arrive $0xFFFF  }
0x42: {  	[sflag:s0] =	ssyncadd.tile.s32 @!p0 $0x1;
	_ =	shalt  }
.Lfunc_end1:
_tile_overlayer_lowered:
.L_overlay_start_2:
0x43: {  	(tag) =	ssettag $0x2  }
0x44: {  	s0 =	rddreg [dreg:$0x0];
	s2 =	stileid.u32  }
0x45: {  	s1 =	rddreg [dreg:$0x1];
	p0 =	sne.s32 s2, $0x0  }
0x46: {  	s3 =	rddreg [dreg:$0x2];
	[bflag:$0x3] =	sbarrier.arrive $0xFFFF;
	s2 =	simm.s32 @!p0 $0x1C01  }
0x47: {  	[timem:s3], [sflag:s2] =	dma.local @!p0 [hbm:s0], s1  }
0x48: {  	s0 =	simm.s32 @!p0 $0x1  }
0x49: {  	_ =	swait.ge @!p0 [sflag:s0], s1  }
0x4a: {  	s1 =	ssub.s32 @!p0 $0x0, s1;
	[sflag:s0] =	ssyncset.done @!p0 $0x0  }
0x4b: {  	[sflag:s0] =	ssyncadd.s32 @!p0 s1  }
0x4c: {  	[bflag:$0x3] =	sbarrier.arrive $0xFFFF  }
0x4d: {  	_ =	shalt  }

</sc_bundles>
